<compile_context>
chip_gen: v7x
topology: tpu7x:2x2x1
jax: 0.10.2.dev20260603
libtpu: 0.0.44.dev20260713+nightly
codegen_flags: <defaults>
</compile_context>

<pallas_src>
import functools
import jax
import jax.numpy as jnp
from jax import lax
from jax.experimental import pallas as pl
from jax.experimental.pallas import tpu as pltpu
from jax.experimental.pallas import tpu_sc as plsc

TILE = 16
SEQ = 65536
DIM = 128
HALF = DIM // 2
NTAB = 512
NC, NS, L = 2, 16, 16
NW = NC * NS
ROWS = SEQ // NW
SCAN = SEQ // NS
VPS = SCAN // L
VPW = ROWS // L
BLK = 128
NBLK = ROWS // BLK
NBUF = 4
TROWS = NTAB // NS

_mesh = plsc.VectorSubcoreMesh(
    core_axis_name="c", subcore_axis_name="s", num_cores=NC, num_subcores=NS
)


def _lane_shuffle(v, idx):
    return lax.gather(
        v,
        idx[:, None],
        dimension_numbers=lax.GatherDimensionNumbers(
            offset_dims=(), collapsed_slice_dims=(0,), start_index_map=(0,)
        ),
        slice_sizes=(1,),
        mode=lax.GatherScatterMode.PROMISE_IN_BOUNDS,
    )


@functools.partial(
    pl.kernel,
    out_type=jax.ShapeDtypeStruct((SEQ, DIM), jnp.float32),
    mesh=_mesh,
    scratch_types=[
        pltpu.VMEM((SCAN,), jnp.int32),
        pltpu.VMEM((SCAN,), jnp.int32),
        pltpu.VMEM((ROWS,), jnp.int32),
        pltpu.VMEM((ROWS,), jnp.int32),
        pltpu.VMEM((2 * NS * L,), jnp.int32),
        pltpu.VMEM((2 * L,), jnp.int32),
        pltpu.VMEM((NBUF, BLK, DIM), jnp.float32),
        pltpu.VMEM_SHARED((NTAB, DIM), jnp.float32),
        pltpu.VMEM_SHARED((NTAB, DIM), jnp.float32),
        pltpu.VMEM_SHARED((2 * NS * L,), jnp.int32),
        pltpu.SemaphoreType.DMA((NBUF,)),
        pltpu.SemaphoreType.DMA((NBUF,)),
        pltpu.SemaphoreType.DMA((NBUF,)),
    ],
    compiler_params=pltpu.CompilerParams(use_tc_tiling_on_sc=True),
)
def _emb_kernel(x_hbm, c1_hbm, c2_hbm, taba_hbm, tabb_hbm, out_hbm,
                cbuf1, cbuf2, idx1buf, idx2buf, mbuf, mv, xbuf,
                taba_sh, tabb_sh, min_sh, lsem, gsem, ssem):
    cid = lax.axis_index("c")
    sid = lax.axis_index("s")
    wid = sid * NC + cid
    rbase = wid * ROWS

    for jw in range(2):
        pltpu.async_copy(
            x_hbm.at[pl.ds(rbase + jw * BLK, BLK)], xbuf.at[jw],
            lsem.at[jw],
        )

    pltpu.sync_copy(taba_hbm.at[pl.ds(sid * TROWS, TROWS)],
                    taba_sh.at[pl.ds(sid * TROWS, TROWS)])
    pltpu.sync_copy(tabb_hbm.at[pl.ds(sid * TROWS, TROWS)],
                    tabb_sh.at[pl.ds(sid * TROWS, TROWS)])

    pltpu.sync_copy(c1_hbm.at[pl.ds(sid * SCAN, SCAN)], cbuf1)
    pltpu.sync_copy(c2_hbm.at[pl.ds(sid * SCAN, SCAN)], cbuf2)

    def body(i, ms):
        m1, m2 = ms
        return (jnp.minimum(m1, cbuf1[pl.ds(i * L, L)]),
                jnp.minimum(m2, cbuf2[pl.ds(i * L, L)]))

    m1, m2 = lax.fori_loop(1, VPS, body,
                           (cbuf1[pl.ds(0, L)], cbuf2[pl.ds(0, L)]),
                           unroll=8)
    mv[pl.ds(0, L)] = m1
    mv[pl.ds(L, L)] = m2
    pltpu.sync_copy(mv, min_sh.at[pl.ds(sid * 2 * L, 2 * L)])
    plsc.subcore_barrier()

    pltpu.sync_copy(min_sh, mbuf)

    def mbody(i, ms):
        m1, m2 = ms
        return (jnp.minimum(m1, mbuf[pl.ds(i * 2 * L, L)]),
                jnp.minimum(m2, mbuf[pl.ds(i * 2 * L + L, L)]))

    m1, m2 = lax.fori_loop(1, NS, mbody,
                           (mbuf[pl.ds(0, L)], mbuf[pl.ds(L, L)]))
    iota = lax.iota(jnp.int32, L)
    for d in (1, 2, 4, 8):
        perm = jnp.bitwise_xor(iota, d)
        m1 = jnp.minimum(m1, _lane_shuffle(m1, perm))
        m2 = jnp.minimum(m2, _lane_shuffle(m2, perm))

    cb = cid * ROWS

    @pl.loop(0, VPW, unroll=8)
    def _(i):
        idx1buf[pl.ds(i * L, L)] = lax.shift_right_arithmetic(
            cbuf1[pl.ds(cb + i * L, L)] - m1, 4)
        idx2buf[pl.ds(i * L, L)] = lax.shift_right_arithmetic(
            cbuf2[pl.ds(cb + i * L, L)] - m2, 4)

    @pl.loop(0, NBLK + 2)
    def _(j):
        @pl.when(j >= 2)
        def _():
            jj = j - 2
            b = jj & (NBUF - 1)
            pltpu.make_async_copy(
                x_hbm.at[pl.ds(rbase + jj * BLK, BLK)], xbuf.at[b],
                gsem.at[b],
            ).wait()
            pltpu.make_async_copy(
                x_hbm.at[pl.ds(rbase + jj * BLK, BLK)], xbuf.at[b],
                gsem.at[b],
            ).wait()
            pltpu.async_copy(
                xbuf.at[b], out_hbm.at[pl.ds(rbase + jj * BLK, BLK)],
                ssem.at[b],
            )

        @pl.when((j >= 1) & (j <= NBLK))
        def _():
            jj = j - 1
            b = jj & (NBUF - 1)
            pltpu.make_async_copy(
                x_hbm.at[pl.ds(rbase + jj * BLK, BLK)], xbuf.at[b],
                lsem.at[b],
            ).wait()
            pltpu.async_copy(
                taba_sh.at[idx1buf.at[pl.ds(jj * BLK, BLK)]], xbuf.at[b],
                gsem.at[b], add=True,
            )
            pltpu.async_copy(
                tabb_sh.at[idx2buf.at[pl.ds(jj * BLK, BLK)]], xbuf.at[b],
                gsem.at[b], add=True,
            )

        @pl.when((j >= 2) & (j < NBLK))
        def _():
            b = j & (NBUF - 1)

            @pl.when(j >= NBUF)
            def _():
                pltpu.make_async_copy(
                    xbuf.at[b],
                    out_hbm.at[pl.ds(rbase + (j - NBUF) * BLK, BLK)],
                    ssem.at[b],
                ).wait()

            pltpu.async_copy(
                x_hbm.at[pl.ds(rbase + j * BLK, BLK)], xbuf.at[b],
                lsem.at[b],
            )

    @pl.loop(NBLK, NBLK + NBUF)
    def _(j):
        b = j & (NBUF - 1)
        pltpu.make_async_copy(
            xbuf.at[b], out_hbm.at[pl.ds(rbase + (j - NBUF) * BLK, BLK)],
            ssem.at[b],
        ).wait()


def kernel(x, coords, emb1, emb2):
    c1 = coords[:, 0]
    c2 = coords[:, 1]
    zeros = jnp.zeros((NTAB, HALF), jnp.float32)
    taba = jnp.concatenate([emb1, zeros], axis=1)
    tabb = jnp.concatenate([zeros, emb2], axis=1)
    return _emb_kernel(x, c1, c2, taba, tabb)

# --- scband reference (transcript-rebuilt; emitter-appended) ---
"""Pipeline reference for scband-positional-embedding2d-24704651886857 (READ-ONLY COPY).

The authoritative reference and input builder live on the scoring server;
editing this copy changes nothing except your own understanding.
"""

import jax, jax.numpy as jnp
import numpy as np

TILE_SIZE = 16
DIM = 128
MAX_LEN = 512
SEQ_LEN = 65536


def setup_inputs(seed: int = 0) -> dict:
    key = jax.random.key(seed)
    k_x, k_c, k_e1, k_e2 = jax.random.split(key, 4)
    x = jax.random.normal(k_x, (SEQ_LEN, DIM), dtype=jnp.float32)
    coords = jax.random.randint(k_c, (SEQ_LEN, 2), 0, TILE_SIZE * MAX_LEN, dtype=jnp.int64 if jax.config.jax_enable_x64 else jnp.int32).astype(jnp.int32)
    emb1 = jax.random.normal(k_e1, (MAX_LEN, DIM // 2), dtype=jnp.float32)
    emb2 = jax.random.normal(k_e2, (MAX_LEN, DIM // 2), dtype=jnp.float32)
    return {"x": x, "coords": coords, "emb1": emb1, "emb2": emb2}


def _grid_values(c, tile_size):
    m = jnp.min(c)
    return (c - m) // tile_size


def reference(x, coords, emb1, emb2):
    coord1 = _grid_values(coords[:, 0], TILE_SIZE)
    coord2 = _grid_values(coords[:, 1], TILE_SIZE)
    embedding1 = jnp.take(emb1, coord1, axis=0)
    embedding2 = jnp.take(emb2, coord2, axis=0)
    position_embeddings = jnp.concatenate([embedding1, embedding2], axis=1)
    return x + position_embeddings

if __name__ == "__main__":
    import jax
    _d = setup_inputs()
    print(jax.jit(kernel)(*tuple(_d.values())))

</pallas_src>

<mosaic_0001>
#map = affine_map<(d0, d1) -> (0, 0)>
#map1 = affine_map<(d0, d1) -> (0)>
module attributes {stable_mosaic.version = 14 : i64} {
  func.func @_emb_kernel(%arg0: i32, %arg1: i32, %arg2: memref<65536x128xf32, #tpu.memory_space<hbm>>, %arg3: memref<65536xi32, #tpu.memory_space<hbm>>, %arg4: memref<65536xi32, #tpu.memory_space<hbm>>, %arg5: memref<512x128xf32, #tpu.memory_space<hbm>>, %arg6: memref<512x128xf32, #tpu.memory_space<hbm>>, %arg7: memref<65536x128xf32, #tpu.memory_space<hbm>>, %arg8: memref<4096xi32, #tpu.memory_space<vmem>>, %arg9: memref<4096xi32, #tpu.memory_space<vmem>>, %arg10: memref<2048xi32, #tpu.memory_space<vmem>>, %arg11: memref<2048xi32, #tpu.memory_space<vmem>>, %arg12: memref<512xi32, #tpu.memory_space<vmem>>, %arg13: memref<32xi32, #tpu.memory_space<vmem>>, %arg14: memref<4x128x128xf32, #tpu.memory_space<vmem>>, %arg15: memref<512x128xf32, #tpu.memory_space<vmem_shared>>, %arg16: memref<512x128xf32, #tpu.memory_space<vmem_shared>>, %arg17: memref<512xi32, #tpu.memory_space<vmem_shared>>, %arg18: memref<4x!tpu.dma_semaphore, #tpu.memory_space<semaphore_mem>>, %arg19: memref<4x!tpu.dma_semaphore, #tpu.memory_space<semaphore_mem>>, %arg20: memref<4x!tpu.dma_semaphore, #tpu.memory_space<semaphore_mem>>) attributes {dimension_semantics = [#tpu.dimension_semantics<core_parallel>, #tpu.dimension_semantics<subcore_parallel>], iteration_bounds = array<i64: 2, 16>, scalar_prefetch = 0 : i64, scratch_operands = 13 : i64, tpu.core_type = #tpu.core_type<sc_vector_subcore>, window_params = [{transform_indices = #map}, {transform_indices = #map1}, {transform_indices = #map1}, {transform_indices = #map}, {transform_indices = #map}, {transform_indices = #map}]} {
    %mul3A = arith.constant 2 : i32
    %mul3A_0 = arith.muli %arg1, %mul3A : i32
    %add3A = arith.addi %mul3A_0, %arg0 : i32
    %mul3A_1 = arith.constant 2048 : i32
    %mul3A_2 = arith.muli %add3A, %mul3A_1 : i32
    %add3A_3 = arith.constant 0 : i32
    %add3A_4 = arith.addi %mul3A_2, %add3A_3 : i32
    %dma_start3A = arith.constant 0 : i32
    %dma_start3A_5 = arith.constant 0 : i32
    %dma_start3A_6 = arith.constant 0 : i32
    %dma_start3A_7 = arith.constant 0 : i32
    %dma_start3A_8 = tpu.memref_slice %arg14[%dma_start3A, %dma_start3A_6, %dma_start3A_7] : memref<4x128x128xf32, #tpu.memory_space<vmem>> -> memref<1x128x128xf32, #tpu.memory_space<vmem>>
    %dma_start3A_9 = tpu.memref_squeeze %dma_start3A_8 : memref<1x128x128xf32, #tpu.memory_space<vmem>> -> memref<128x128xf32, #tpu.memory_space<vmem>>
    %dma_start3A_10 = arith.constant 0 : i32
    %dma_start3A_11 = tpu.memref_slice %arg2[%add3A_4, %dma_start3A_10] : memref<65536x128xf32, #tpu.memory_space<hbm>> -> memref<128x128xf32, #tpu.memory_space<hbm>>
    %dma_start3A_12 = tpu.memref_slice %arg18[%dma_start3A_5] : memref<4x!tpu.dma_semaphore, #tpu.memory_space<semaphore_mem>> -> memref<1x!tpu.dma_semaphore, #tpu.memory_space<semaphore_mem>>
    %dma_start3A_13 = tpu.memref_squeeze %dma_start3A_12 : memref<1x!tpu.dma_semaphore, #tpu.memory_space<semaphore_mem>> -> memref<!tpu.dma_semaphore, #tpu.memory_space<semaphore_mem>>
    %dma_start3A_14 = arith.constant 0 : i32
    %dma_start3A_15 = arith.constant 0 : i32
    %dma_start3A_16 = tpu.memref_slice %arg14[%dma_start3A, %dma_start3A_14, %dma_start3A_15] : memref<4x128x128xf32, #tpu.memory_space<vmem>> -> memref<1x128x128xf32, #tpu.memory_space<vmem>>
    %dma_start3A_17 = tpu.memref_squeeze %dma_start3A_16 : memref<1x128x128xf32, #tpu.memory_space<vmem>> -> memref<128x128xf32, #tpu.memory_space<vmem>>
    %dma_start3A_18 = arith.constant 0 : i32
    %dma_start3A_19 = tpu.memref_slice %arg2[%add3A_4, %dma_start3A_18] : memref<65536x128xf32, #tpu.memory_space<hbm>> -> memref<128x128xf32, #tpu.memory_space<hbm>>
    tpu.enqueue_dma source(%dma_start3A_19 : memref<128x128xf32, #tpu.memory_space<hbm>>) target(%dma_start3A_17 : memref<128x128xf32, #tpu.memory_space<vmem>>) target_semaphore(%dma_start3A_13 : memref<!tpu.dma_semaphore, #tpu.memory_space<semaphore_mem>>)
    %add3A_20 = arith.constant 128 : i32
    %add3A_21 = arith.addi %mul3A_2, %add3A_20 : i32
    %dma_start3A_22 = arith.constant 1 : i32
    %dma_start3A_23 = arith.constant 1 : i32
    %dma_start3A_24 = arith.constant 0 : i32
    %dma_start3A_25 = arith.constant 0 : i32
    %dma_start3A_26 = tpu.memref_slice %arg14[%dma_start3A_22, %dma_start3A_24, %dma_start3A_25] : memref<4x128x128xf32, #tpu.memory_space<vmem>> -> memref<1x128x128xf32, #tpu.memory_space<vmem>>
    %dma_start3A_27 = tpu.memref_squeeze %dma_start3A_26 : memref<1x128x128xf32, #tpu.memory_space<vmem>> -> memref<128x128xf32, #tpu.memory_space<vmem>>
    %dma_start3A_28 = arith.constant 0 : i32
    %dma_start3A_29 = tpu.memref_slice %arg2[%add3A_21, %dma_start3A_28] : memref<65536x128xf32, #tpu.memory_space<hbm>> -> memref<128x128xf32, #tpu.memory_space<hbm>>
    %dma_start3A_30 = tpu.memref_slice %arg18[%dma_start3A_23] : memref<4x!tpu.dma_semaphore, #tpu.memory_space<semaphore_mem>> -> memref<1x!tpu.dma_semaphore, #tpu.memory_space<semaphore_mem>>
    %dma_start3A_31 = tpu.memref_squeeze %dma_start3A_30 : memref<1x!tpu.dma_semaphore, #tpu.memory_space<semaphore_mem>> -> memref<!tpu.dma_semaphore, #tpu.memory_space<semaphore_mem>>
    %dma_start3A_32 = arith.constant 0 : i32
    %dma_start3A_33 = arith.constant 0 : i32
    %dma_start3A_34 = tpu.memref_slice %arg14[%dma_start3A_22, %dma_start3A_32, %dma_start3A_33] : memref<4x128x128xf32, #tpu.memory_space<vmem>> -> memref<1x128x128xf32, #tpu.memory_space<vmem>>
    %dma_start3A_35 = tpu.memref_squeeze %dma_start3A_34 : memref<1x128x128xf32, #tpu.memory_space<vmem>> -> memref<128x128xf32, #tpu.memory_space<vmem>>
    %dma_start3A_36 = arith.constant 0 : i32
    %dma_start3A_37 = tpu.memref_slice %arg2[%add3A_21, %dma_start3A_36] : memref<65536x128xf32, #tpu.memory_space<hbm>> -> memref<128x128xf32, #tpu.memory_space<hbm>>
    tpu.enqueue_dma source(%dma_start3A_37 : memref<128x128xf32, #tpu.memory_space<hbm>>) target(%dma_start3A_35 : memref<128x128xf32, #tpu.memory_space<vmem>>) target_semaphore(%dma_start3A_31 : memref<!tpu.dma_semaphore, #tpu.memory_space<semaphore_mem>>)
    %mul3A_38 = arith.constant 32 : i32
    %mul3A_39 = arith.muli %arg1, %mul3A_38 : i32
    %mul3A_40 = arith.constant 32 : i32
    %mul3A_41 = arith.muli %arg1, %mul3A_40 : i32
    "tpu.region"() ({
      %run_scoped3A = tpu.sem_alloc : memref<!tpu.dma_semaphore, #tpu.memory_space<semaphore_mem>>
      %dma_start3A_238 = arith.constant 0 : i32
      %dma_start3A_239 = tpu.memref_slice %arg15[%mul3A_41, %dma_start3A_238] : memref<512x128xf32, #tpu.memory_space<vmem_shared>> -> memref<32x128xf32, #tpu.memory_space<vmem_shared>>
      %dma_start3A_240 = arith.constant 0 : i32
      %dma_start3A_241 = tpu.memref_slice %arg5[%mul3A_39, %dma_start3A_240] : memref<512x128xf32, #tpu.memory_space<hbm>> -> memref<32x128xf32, #tpu.memory_space<hbm>>
      tpu.enqueue_dma source(%dma_start3A_241 : memref<32x128xf32, #tpu.memory_space<hbm>>) target(%dma_start3A_239 : memref<32x128xf32, #tpu.memory_space<vmem_shared>>) target_semaphore(%run_scoped3A : memref<!tpu.dma_semaphore, #tpu.memory_space<semaphore_mem>>)
      %dma_wait3A = arith.constant 0 : i32
      %dma_wait3A_242 = tpu.memref_slice %arg15[%mul3A_41, %dma_wait3A] : memref<512x128xf32, #tpu.memory_space<vmem_shared>> -> memref<32x128xf32, #tpu.memory_space<vmem_shared>>
      %dma_wait3A_243 = arith.constant 0 : i32
      %dma_wait3A_244 = tpu.memref_slice %arg5[%mul3A_39, %dma_wait3A_243] : memref<512x128xf32, #tpu.memory_space<hbm>> -> memref<32x128xf32, #tpu.memory_space<hbm>>
      tpu.wait_dma2 semaphore(%run_scoped3A : memref<!tpu.dma_semaphore, #tpu.memory_space<semaphore_mem>>) src(%dma_wait3A_244 : memref<32x128xf32, #tpu.memory_space<hbm>>) dst(%dma_wait3A_242 : memref<32x128xf32, #tpu.memory_space<vmem_shared>>)
      tpu.yield
    }) : () -> ()
    %mul3A_42 = arith.constant 32 : i32
    %mul3A_43 = arith.muli %arg1, %mul3A_42 : i32
    %mul3A_44 = arith.constant 32 : i32
    %mul3A_45 = arith.muli %arg1, %mul3A_44 : i32
    "tpu.region"() ({
      %run_scoped3A = tpu.sem_alloc : memref<!tpu.dma_semaphore, #tpu.memory_space<semaphore_mem>>
      %dma_start3A_238 = arith.constant 0 : i32
      %dma_start3A_239 = tpu.memref_slice %arg16[%mul3A_45, %dma_start3A_238] : memref<512x128xf32, #tpu.memory_space<vmem_shared>> -> memref<32x128xf32, #tpu.memory_space<vmem_shared>>
      %dma_start3A_240 = arith.constant 0 : i32
      %dma_start3A_241 = tpu.memref_slice %arg6[%mul3A_43, %dma_start3A_240] : memref<512x128xf32, #tpu.memory_space<hbm>> -> memref<32x128xf32, #tpu.memory_space<hbm>>
      tpu.enqueue_dma source(%dma_start3A_241 : memref<32x128xf32, #tpu.memory_space<hbm>>) target(%dma_start3A_239 : memref<32x128xf32, #tpu.memory_space<vmem_shared>>) target_semaphore(%run_scoped3A : memref<!tpu.dma_semaphore, #tpu.memory_space<semaphore_mem>>)
      %dma_wait3A = arith.constant 0 : i32
      %dma_wait3A_242 = tpu.memref_slice %arg16[%mul3A_45, %dma_wait3A] : memref<512x128xf32, #tpu.memory_space<vmem_shared>> -> memref<32x128xf32, #tpu.memory_space<vmem_shared>>
      %dma_wait3A_243 = arith.constant 0 : i32
      %dma_wait3A_244 = tpu.memref_slice %arg6[%mul3A_43, %dma_wait3A_243] : memref<512x128xf32, #tpu.memory_space<hbm>> -> memref<32x128xf32, #tpu.memory_space<hbm>>
      tpu.wait_dma2 semaphore(%run_scoped3A : memref<!tpu.dma_semaphore, #tpu.memory_space<semaphore_mem>>) src(%dma_wait3A_244 : memref<32x128xf32, #tpu.memory_space<hbm>>) dst(%dma_wait3A_242 : memref<32x128xf32, #tpu.memory_space<vmem_shared>>)
      tpu.yield
    }) : () -> ()
    %mul3A_46 = arith.constant 4096 : i32
    %mul3A_47 = arith.muli %arg1, %mul3A_46 : i32
    "tpu.region"() ({
      %run_scoped3A = tpu.sem_alloc : memref<!tpu.dma_semaphore, #tpu.memory_space<semaphore_mem>>
      %dma_start3A_238 = tpu.memref_slice %arg3[%mul3A_47] : memref<65536xi32, #tpu.memory_space<hbm>> -> memref<4096xi32, #tpu.memory_space<hbm>>
      %dma_start3A_239 = tpu.memref_slice %arg3[%mul3A_47] : memref<65536xi32, #tpu.memory_space<hbm>> -> memref<4096xi32, #tpu.memory_space<hbm>>
      tpu.enqueue_dma source(%dma_start3A_239 : memref<4096xi32, #tpu.memory_space<hbm>>) target(%arg8 : memref<4096xi32, #tpu.memory_space<vmem>>) target_semaphore(%run_scoped3A : memref<!tpu.dma_semaphore, #tpu.memory_space<semaphore_mem>>)
      %dma_wait3A = tpu.memref_slice %arg3[%mul3A_47] : memref<65536xi32, #tpu.memory_space<hbm>> -> memref<4096xi32, #tpu.memory_space<hbm>>
      %dma_wait3A_240 = tpu.memref_slice %arg3[%mul3A_47] : memref<65536xi32, #tpu.memory_space<hbm>> -> memref<4096xi32, #tpu.memory_space<hbm>>
      tpu.wait_dma2 semaphore(%run_scoped3A : memref<!tpu.dma_semaphore, #tpu.memory_space<semaphore_mem>>) src(%dma_wait3A_240 : memref<4096xi32, #tpu.memory_space<hbm>>) dst(%arg8 : memref<4096xi32, #tpu.memory_space<vmem>>)
      tpu.yield
    }) : () -> ()
    %mul3A_48 = arith.constant 4096 : i32
    %mul3A_49 = arith.muli %arg1, %mul3A_48 : i32
    "tpu.region"() ({
      %run_scoped3A = tpu.sem_alloc : memref<!tpu.dma_semaphore, #tpu.memory_space<semaphore_mem>>
      %dma_start3A_238 = tpu.memref_slice %arg4[%mul3A_49] : memref<65536xi32, #tpu.memory_space<hbm>> -> memref<4096xi32, #tpu.memory_space<hbm>>
      %dma_start3A_239 = tpu.memref_slice %arg4[%mul3A_49] : memref<65536xi32, #tpu.memory_space<hbm>> -> memref<4096xi32, #tpu.memory_space<hbm>>
      tpu.enqueue_dma source(%dma_start3A_239 : memref<4096xi32, #tpu.memory_space<hbm>>) target(%arg9 : memref<4096xi32, #tpu.memory_space<vmem>>) target_semaphore(%run_scoped3A : memref<!tpu.dma_semaphore, #tpu.memory_space<semaphore_mem>>)
      %dma_wait3A = tpu.memref_slice %arg4[%mul3A_49] : memref<65536xi32, #tpu.memory_space<hbm>> -> memref<4096xi32, #tpu.memory_space<hbm>>
      %dma_wait3A_240 = tpu.memref_slice %arg4[%mul3A_49] : memref<65536xi32, #tpu.memory_space<hbm>> -> memref<4096xi32, #tpu.memory_space<hbm>>
      tpu.wait_dma2 semaphore(%run_scoped3A : memref<!tpu.dma_semaphore, #tpu.memory_space<semaphore_mem>>) src(%dma_wait3A_240 : memref<4096xi32, #tpu.memory_space<hbm>>) dst(%arg9 : memref<4096xi32, #tpu.memory_space<vmem>>)
      tpu.yield
    }) : () -> ()
    %get3A = arith.constant 0 : index
    %get3A_50 = tpu.vector_load %arg8[%get3A] {strides = array<i32>} : memref<4096xi32, #tpu.memory_space<vmem>>, vector<16xi32>,
    %get3A_51 = vector.shape_cast %get3A_50 : vector<16xi32> to vector<16xi32>
    %get3A_52 = arith.constant 0 : index
    %get3A_53 = tpu.vector_load %arg9[%get3A_52] {strides = array<i32>} : memref<4096xi32, #tpu.memory_space<vmem>>, vector<16xi32>,
    %get3A_54 = vector.shape_cast %get3A_53 : vector<16xi32> to vector<16xi32>
    %scan3A = arith.constant 1 : i32
    %scan3A_55 = arith.constant 248 : i32
    %scan3A_56 = arith.addi %scan3A, %scan3A_55 : i32
    %scan3A_57 = arith.constant 8 : i32
    %scan3A_58:2 = scf.for %scan3A_238 = %scan3A to %scan3A_56 step %scan3A_57 iter_args(%scan3A_239 = %get3A_51, %scan3A_240 = %get3A_54) -> (vector<16xi32>, vector<16xi32>)  : i32 {
      %mul3A_241 = arith.constant 16 : i32
      %mul3A_242 = arith.muli %scan3A_238, %mul3A_241 : i32
      %get3A_243 = arith.index_cast %mul3A_242 : i32 to index
      %get3A_244 = tpu.vector_load %arg8[%get3A_243] {strides = array<i32>} : memref<4096xi32, #tpu.memory_space<vmem>>, vector<16xi32>,
      %get3A_245 = vector.shape_cast %get3A_244 : vector<16xi32> to vector<16xi32>
      %min3A_246 = arith.minsi %scan3A_239, %get3A_245 : vector<16xi32>
      %mul3A_247 = arith.constant 16 : i32
      %mul3A_248 = arith.muli %scan3A_238, %mul3A_247 : i32
      %get3A_249 = arith.index_cast %mul3A_248 : i32 to index
      %get3A_250 = tpu.vector_load %arg9[%get3A_249] {strides = array<i32>} : memref<4096xi32, #tpu.memory_space<vmem>>, vector<16xi32>,
      %get3A_251 = vector.shape_cast %get3A_250 : vector<16xi32> to vector<16xi32>
      %min3A_252 = arith.minsi %scan3A_240, %get3A_251 : vector<16xi32>
      %scan3A_253 = arith.constant 1 : i32
      %scan3A_254 = arith.addi %scan3A_238, %scan3A_253 : i32
      %mul3A_255 = arith.constant 16 : i32
      %mul3A_256 = arith.muli %scan3A_254, %mul3A_255 : i32
      %get3A_257 = arith.index_cast %mul3A_256 : i32 to index
      %get3A_258 = tpu.vector_load %arg8[%get3A_257] {strides = array<i32>} : memref<4096xi32, #tpu.memory_space<vmem>>, vector<16xi32>,
      %get3A_259 = vector.shape_cast %get3A_258 : vector<16xi32> to vector<16xi32>
      %min3A_260 = arith.minsi %min3A_246, %get3A_259 : vector<16xi32>
      %mul3A_261 = arith.constant 16 : i32
      %mul3A_262 = arith.muli %scan3A_254, %mul3A_261 : i32
      %get3A_263 = arith.index_cast %mul3A_262 : i32 to index
      %get3A_264 = tpu.vector_load %arg9[%get3A_263] {strides = array<i32>} : memref<4096xi32, #tpu.memory_space<vmem>>, vector<16xi32>,
      %get3A_265 = vector.shape_cast %get3A_264 : vector<16xi32> to vector<16xi32>
      %min3A_266 = arith.minsi %min3A_252, %get3A_265 : vector<16xi32>
      %scan3A_267 = arith.constant 2 : i32
      %scan3A_268 = arith.addi %scan3A_238, %scan3A_267 : i32
      %mul3A_269 = arith.constant 16 : i32
      %mul3A_270 = arith.muli %scan3A_268, %mul3A_269 : i32
      %get3A_271 = arith.index_cast %mul3A_270 : i32 to index
      %get3A_272 = tpu.vector_load %arg8[%get3A_271] {strides = array<i32>} : memref<4096xi32, #tpu.memory_space<vmem>>, vector<16xi32>,
      %get3A_273 = vector.shape_cast %get3A_272 : vector<16xi32> to vector<16xi32>
      %min3A_274 = arith.minsi %min3A_260, %get3A_273 : vector<16xi32>
      %mul3A_275 = arith.constant 16 : i32
      %mul3A_276 = arith.muli %scan3A_268, %mul3A_275 : i32
      %get3A_277 = arith.index_cast %mul3A_276 : i32 to index
      %get3A_278 = tpu.vector_load %arg9[%get3A_277] {strides = array<i32>} : memref<4096xi32, #tpu.memory_space<vmem>>, vector<16xi32>,
      %get3A_279 = vector.shape_cast %get3A_278 : vector<16xi32> to vector<16xi32>
      %min3A_280 = arith.minsi %min3A_266, %get3A_279 : vector<16xi32>
      %scan3A_281 = arith.constant 3 : i32
      %scan3A_282 = arith.addi %scan3A_238, %scan3A_281 : i32
      %mul3A_283 = arith.constant 16 : i32
      %mul3A_284 = arith.muli %scan3A_282, %mul3A_283 : i32
      %get3A_285 = arith.index_cast %mul3A_284 : i32 to index
      %get3A_286 = tpu.vector_load %arg8[%get3A_285] {strides = array<i32>} : memref<4096xi32, #tpu.memory_space<vmem>>, vector<16xi32>,
      %get3A_287 = vector.shape_cast %get3A_286 : vector<16xi32> to vector<16xi32>
      %min3A_288 = arith.minsi %min3A_274, %get3A_287 : vector<16xi32>
      %mul3A_289 = arith.constant 16 : i32
      %mul3A_290 = arith.muli %scan3A_282, %mul3A_289 : i32
      %get3A_291 = arith.index_cast %mul3A_290 : i32 to index
      %get3A_292 = tpu.vector_load %arg9[%get3A_291] {strides = array<i32>} : memref<4096xi32, #tpu.memory_space<vmem>>, vector<16xi32>,
      %get3A_293 = vector.shape_cast %get3A_292 : vector<16xi32> to vector<16xi32>
      %min3A_294 = arith.minsi %min3A_280, %get3A_293 : vector<16xi32>
      %scan3A_295 = arith.constant 4 : i32
      %scan3A_296 = arith.addi %scan3A_238, %scan3A_295 : i32
      %mul3A_297 = arith.constant 16 : i32
      %mul3A_298 = arith.muli %scan3A_296, %mul3A_297 : i32
      %get3A_299 = arith.index_cast %mul3A_298 : i32 to index
      %get3A_300 = tpu.vector_load %arg8[%get3A_299] {strides = array<i32>} : memref<4096xi32, #tpu.memory_space<vmem>>, vector<16xi32>,
      %get3A_301 = vector.shape_cast %get3A_300 : vector<16xi32> to vector<16xi32>
      %min3A_302 = arith.minsi %min3A_288, %get3A_301 : vector<16xi32>
      %mul3A_303 = arith.constant 16 : i32
      %mul3A_304 = arith.muli %scan3A_296, %mul3A_303 : i32
      %get3A_305 = arith.index_cast %mul3A_304 : i32 to index
      %get3A_306 = tpu.vector_load %arg9[%get3A_305] {strides = array<i32>} : memref<4096xi32, #tpu.memory_space<vmem>>, vector<16xi32>,
      %get3A_307 = vector.shape_cast %get3A_306 : vector<16xi32> to vector<16xi32>
      %min3A_308 = arith.minsi %min3A_294, %get3A_307 : vector<16xi32>
      %scan3A_309 = arith.constant 5 : i32
      %scan3A_310 = arith.addi %scan3A_238, %scan3A_309 : i32
      %mul3A_311 = arith.constant 16 : i32
      %mul3A_312 = arith.muli %scan3A_310, %mul3A_311 : i32
      %get3A_313 = arith.index_cast %mul3A_312 : i32 to index
      %get3A_314 = tpu.vector_load %arg8[%get3A_313] {strides = array<i32>} : memref<4096xi32, #tpu.memory_space<vmem>>, vector<16xi32>,
      %get3A_315 = vector.shape_cast %get3A_314 : vector<16xi32> to vector<16xi32>
      %min3A_316 = arith.minsi %min3A_302, %get3A_315 : vector<16xi32>
      %mul3A_317 = arith.constant 16 : i32
      %mul3A_318 = arith.muli %scan3A_310, %mul3A_317 : i32
      %get3A_319 = arith.index_cast %mul3A_318 : i32 to index
      %get3A_320 = tpu.vector_load %arg9[%get3A_319] {strides = array<i32>} : memref<4096xi32, #tpu.memory_space<vmem>>, vector<16xi32>,
      %get3A_321 = vector.shape_cast %get3A_320 : vector<16xi32> to vector<16xi32>
      %min3A_322 = arith.minsi %min3A_308, %get3A_321 : vector<16xi32>
      %scan3A_323 = arith.constant 6 : i32
      %scan3A_324 = arith.addi %scan3A_238, %scan3A_323 : i32
      %mul3A_325 = arith.constant 16 : i32
      %mul3A_326 = arith.muli %scan3A_324, %mul3A_325 : i32
      %get3A_327 = arith.index_cast %mul3A_326 : i32 to index
      %get3A_328 = tpu.vector_load %arg8[%get3A_327] {strides = array<i32>} : memref<4096xi32, #tpu.memory_space<vmem>>, vector<16xi32>,
      %get3A_329 = vector.shape_cast %get3A_328 : vector<16xi32> to vector<16xi32>
      %min3A_330 = arith.minsi %min3A_316, %get3A_329 : vector<16xi32>
      %mul3A_331 = arith.constant 16 : i32
      %mul3A_332 = arith.muli %scan3A_324, %mul3A_331 : i32
      %get3A_333 = arith.index_cast %mul3A_332 : i32 to index
      %get3A_334 = tpu.vector_load %arg9[%get3A_333] {strides = array<i32>} : memref<4096xi32, #tpu.memory_space<vmem>>, vector<16xi32>,
      %get3A_335 = vector.shape_cast %get3A_334 : vector<16xi32> to vector<16xi32>
      %min3A_336 = arith.minsi %min3A_322, %get3A_335 : vector<16xi32>
      %scan3A_337 = arith.constant 7 : i32
      %scan3A_338 = arith.addi %scan3A_238, %scan3A_337 : i32
      %mul3A_339 = arith.constant 16 : i32
      %mul3A_340 = arith.muli %scan3A_338, %mul3A_339 : i32
      %get3A_341 = arith.index_cast %mul3A_340 : i32 to index
      %get3A_342 = tpu.vector_load %arg8[%get3A_341] {strides = array<i32>} : memref<4096xi32, #tpu.memory_space<vmem>>, vector<16xi32>,
      %get3A_343 = vector.shape_cast %get3A_342 : vector<16xi32> to vector<16xi32>
      %min3A_344 = arith.minsi %min3A_330, %get3A_343 : vector<16xi32>
      %mul3A_345 = arith.constant 16 : i32
      %mul3A_346 = arith.muli %scan3A_338, %mul3A_345 : i32
      %get3A_347 = arith.index_cast %mul3A_346 : i32 to index
      %get3A_348 = tpu.vector_load %arg9[%get3A_347] {strides = array<i32>} : memref<4096xi32, #tpu.memory_space<vmem>>, vector<16xi32>,
      %get3A_349 = vector.shape_cast %get3A_348 : vector<16xi32> to vector<16xi32>
      %min3A_350 = arith.minsi %min3A_336, %get3A_349 : vector<16xi32>
      scf.yield %min3A_344, %min3A_350 : vector<16xi32>, vector<16xi32>
    }
    %scan3A_59 = arith.constant 248 : i32
    %scan3A_60 = arith.addi %scan3A, %scan3A_59 : i32
    %mul3A_61 = arith.constant 16 : i32
    %mul3A_62 = arith.muli %scan3A_60, %mul3A_61 : i32
    %get3A_63 = arith.index_cast %mul3A_62 : i32 to index
    %get3A_64 = tpu.vector_load %arg8[%get3A_63] {strides = array<i32>} : memref<4096xi32, #tpu.memory_space<vmem>>, vector<16xi32>,
    %get3A_65 = vector.shape_cast %get3A_64 : vector<16xi32> to vector<16xi32>
    %min3A = arith.minsi %scan3A_58#0, %get3A_65 : vector<16xi32>
    %mul3A_66 = arith.constant 16 : i32
    %mul3A_67 = arith.muli %scan3A_60, %mul3A_66 : i32
    %get3A_68 = arith.index_cast %mul3A_67 : i32 to index
    %get3A_69 = tpu.vector_load %arg9[%get3A_68] {strides = array<i32>} : memref<4096xi32, #tpu.memory_space<vmem>>, vector<16xi32>,
    %get3A_70 = vector.shape_cast %get3A_69 : vector<16xi32> to vector<16xi32>
    %min3A_71 = arith.minsi %scan3A_58#1, %get3A_70 : vector<16xi32>
    %scan3A_72 = arith.constant 249 : i32
    %scan3A_73 = arith.addi %scan3A, %scan3A_72 : i32
    %mul3A_74 = arith.constant 16 : i32
    %mul3A_75 = arith.muli %scan3A_73, %mul3A_74 : i32
    %get3A_76 = arith.index_cast %mul3A_75 : i32 to index
    %get3A_77 = tpu.vector_load %arg8[%get3A_76] {strides = array<i32>} : memref<4096xi32, #tpu.memory_space<vmem>>, vector<16xi32>,
    %get3A_78 = vector.shape_cast %get3A_77 : vector<16xi32> to vector<16xi32>
    %min3A_79 = arith.minsi %min3A, %get3A_78 : vector<16xi32>
    %mul3A_80 = arith.constant 16 : i32
    %mul3A_81 = arith.muli %scan3A_73, %mul3A_80 : i32
    %get3A_82 = arith.index_cast %mul3A_81 : i32 to index
    %get3A_83 = tpu.vector_load %arg9[%get3A_82] {strides = array<i32>} : memref<4096xi32, #tpu.memory_space<vmem>>, vector<16xi32>,
    %get3A_84 = vector.shape_cast %get3A_83 : vector<16xi32> to vector<16xi32>
    %min3A_85 = arith.minsi %min3A_71, %get3A_84 : vector<16xi32>
    %scan3A_86 = arith.constant 250 : i32
    %scan3A_87 = arith.addi %scan3A, %scan3A_86 : i32
    %mul3A_88 = arith.constant 16 : i32
    %mul3A_89 = arith.muli %scan3A_87, %mul3A_88 : i32
    %get3A_90 = arith.index_cast %mul3A_89 : i32 to index
    %get3A_91 = tpu.vector_load %arg8[%get3A_90] {strides = array<i32>} : memref<4096xi32, #tpu.memory_space<vmem>>, vector<16xi32>,
    %get3A_92 = vector.shape_cast %get3A_91 : vector<16xi32> to vector<16xi32>
    %min3A_93 = arith.minsi %min3A_79, %get3A_92 : vector<16xi32>
    %mul3A_94 = arith.constant 16 : i32
    %mul3A_95 = arith.muli %scan3A_87, %mul3A_94 : i32
    %get3A_96 = arith.index_cast %mul3A_95 : i32 to index
    %get3A_97 = tpu.vector_load %arg9[%get3A_96] {strides = array<i32>} : memref<4096xi32, #tpu.memory_space<vmem>>, vector<16xi32>,
    %get3A_98 = vector.shape_cast %get3A_97 : vector<16xi32> to vector<16xi32>
    %min3A_99 = arith.minsi %min3A_85, %get3A_98 : vector<16xi32>
    %scan3A_100 = arith.constant 251 : i32
    %scan3A_101 = arith.addi %scan3A, %scan3A_100 : i32
    %mul3A_102 = arith.constant 16 : i32
    %mul3A_103 = arith.muli %scan3A_101, %mul3A_102 : i32
    %get3A_104 = arith.index_cast %mul3A_103 : i32 to index
    %get3A_105 = tpu.vector_load %arg8[%get3A_104] {strides = array<i32>} : memref<4096xi32, #tpu.memory_space<vmem>>, vector<16xi32>,
    %get3A_106 = vector.shape_cast %get3A_105 : vector<16xi32> to vector<16xi32>
    %min3A_107 = arith.minsi %min3A_93, %get3A_106 : vector<16xi32>
    %mul3A_108 = arith.constant 16 : i32
    %mul3A_109 = arith.muli %scan3A_101, %mul3A_108 : i32
    %get3A_110 = arith.index_cast %mul3A_109 : i32 to index
    %get3A_111 = tpu.vector_load %arg9[%get3A_110] {strides = array<i32>} : memref<4096xi32, #tpu.memory_space<vmem>>, vector<16xi32>,
    %get3A_112 = vector.shape_cast %get3A_111 : vector<16xi32> to vector<16xi32>
    %min3A_113 = arith.minsi %min3A_99, %get3A_112 : vector<16xi32>
    %scan3A_114 = arith.constant 252 : i32
    %scan3A_115 = arith.addi %scan3A, %scan3A_114 : i32
    %mul3A_116 = arith.constant 16 : i32
    %mul3A_117 = arith.muli %scan3A_115, %mul3A_116 : i32
    %get3A_118 = arith.index_cast %mul3A_117 : i32 to index
    %get3A_119 = tpu.vector_load %arg8[%get3A_118] {strides = array<i32>} : memref<4096xi32, #tpu.memory_space<vmem>>, vector<16xi32>,
    %get3A_120 = vector.shape_cast %get3A_119 : vector<16xi32> to vector<16xi32>
    %min3A_121 = arith.minsi %min3A_107, %get3A_120 : vector<16xi32>
    %mul3A_122 = arith.constant 16 : i32
    %mul3A_123 = arith.muli %scan3A_115, %mul3A_122 : i32
    %get3A_124 = arith.index_cast %mul3A_123 : i32 to index
    %get3A_125 = tpu.vector_load %arg9[%get3A_124] {strides = array<i32>} : memref<4096xi32, #tpu.memory_space<vmem>>, vector<16xi32>,
    %get3A_126 = vector.shape_cast %get3A_125 : vector<16xi32> to vector<16xi32>
    %min3A_127 = arith.minsi %min3A_113, %get3A_126 : vector<16xi32>
    %scan3A_128 = arith.constant 253 : i32
    %scan3A_129 = arith.addi %scan3A, %scan3A_128 : i32
    %mul3A_130 = arith.constant 16 : i32
    %mul3A_131 = arith.muli %scan3A_129, %mul3A_130 : i32
    %get3A_132 = arith.index_cast %mul3A_131 : i32 to index
    %get3A_133 = tpu.vector_load %arg8[%get3A_132] {strides = array<i32>} : memref<4096xi32, #tpu.memory_space<vmem>>, vector<16xi32>,
    %get3A_134 = vector.shape_cast %get3A_133 : vector<16xi32> to vector<16xi32>
    %min3A_135 = arith.minsi %min3A_121, %get3A_134 : vector<16xi32>
    %mul3A_136 = arith.constant 16 : i32
    %mul3A_137 = arith.muli %scan3A_129, %mul3A_136 : i32
    %get3A_138 = arith.index_cast %mul3A_137 : i32 to index
    %get3A_139 = tpu.vector_load %arg9[%get3A_138] {strides = array<i32>} : memref<4096xi32, #tpu.memory_space<vmem>>, vector<16xi32>,
    %get3A_140 = vector.shape_cast %get3A_139 : vector<16xi32> to vector<16xi32>
    %min3A_141 = arith.minsi %min3A_127, %get3A_140 : vector<16xi32>
    %scan3A_142 = arith.constant 254 : i32
    %scan3A_143 = arith.addi %scan3A, %scan3A_142 : i32
    %mul3A_144 = arith.constant 16 : i32
    %mul3A_145 = arith.muli %scan3A_143, %mul3A_144 : i32
    %get3A_146 = arith.index_cast %mul3A_145 : i32 to index
    %get3A_147 = tpu.vector_load %arg8[%get3A_146] {strides = array<i32>} : memref<4096xi32, #tpu.memory_space<vmem>>, vector<16xi32>,
    %get3A_148 = vector.shape_cast %get3A_147 : vector<16xi32> to vector<16xi32>
    %min3A_149 = arith.minsi %min3A_135, %get3A_148 : vector<16xi32>
    %mul3A_150 = arith.constant 16 : i32
    %mul3A_151 = arith.muli %scan3A_143, %mul3A_150 : i32
    %get3A_152 = arith.index_cast %mul3A_151 : i32 to index
    %get3A_153 = tpu.vector_load %arg9[%get3A_152] {strides = array<i32>} : memref<4096xi32, #tpu.memory_space<vmem>>, vector<16xi32>,
    %get3A_154 = vector.shape_cast %get3A_153 : vector<16xi32> to vector<16xi32>
    %min3A_155 = arith.minsi %min3A_141, %get3A_154 : vector<16xi32>
    %scan3A_156 = arith.constant 255 : i32
    %swap3A = arith.constant 0 : index
    %swap3A_157 = tpu.vector_load %arg13[%swap3A] {strides = array<i32>} : memref<32xi32, #tpu.memory_space<vmem>>, vector<16xi32>,
    %swap3A_158 = vector.shape_cast %swap3A_157 : vector<16xi32> to vector<16xi32>
    %swap3A_159 = vector.shape_cast %min3A_149 : vector<16xi32> to vector<16xi32>
    tpu.vector_store %arg13[%swap3A], %swap3A_159 {strides = array<i32>} : memref<32xi32, #tpu.memory_space<vmem>>, vector<16xi32>,
    %swap3A_160 = arith.constant 16 : index
    %swap3A_161 = tpu.vector_load %arg13[%swap3A_160] {strides = array<i32>} : memref<32xi32, #tpu.memory_space<vmem>>, vector<16xi32>,
    %swap3A_162 = vector.shape_cast %swap3A_161 : vector<16xi32> to vector<16xi32>
    %swap3A_163 = vector.shape_cast %min3A_155 : vector<16xi32> to vector<16xi32>
    tpu.vector_store %arg13[%swap3A_160], %swap3A_163 {strides = array<i32>} : memref<32xi32, #tpu.memory_space<vmem>>, vector<16xi32>,
    %mul3A_164 = arith.constant 2 : i32
    %mul3A_165 = arith.muli %arg1, %mul3A_164 : i32
    %mul3A_166 = arith.constant 16 : i32
    %mul3A_167 = arith.muli %mul3A_165, %mul3A_166 : i32
    "tpu.region"() ({
      %run_scoped3A = tpu.sem_alloc : memref<!tpu.dma_semaphore, #tpu.memory_space<semaphore_mem>>
      %dma_start3A_238 = tpu.memref_slice %arg17[%mul3A_167] : memref<512xi32, #tpu.memory_space<vmem_shared>> -> memref<32xi32, #tpu.memory_space<vmem_shared>>
      %dma_start3A_239 = tpu.memref_slice %arg17[%mul3A_167] : memref<512xi32, #tpu.memory_space<vmem_shared>> -> memref<32xi32, #tpu.memory_space<vmem_shared>>
      tpu.enqueue_dma source(%arg13 : memref<32xi32, #tpu.memory_space<vmem>>) target(%dma_start3A_239 : memref<32xi32, #tpu.memory_space<vmem_shared>>) target_semaphore(%run_scoped3A : memref<!tpu.dma_semaphore, #tpu.memory_space<semaphore_mem>>)
      %dma_wait3A = tpu.memref_slice %arg17[%mul3A_167] : memref<512xi32, #tpu.memory_space<vmem_shared>> -> memref<32xi32, #tpu.memory_space<vmem_shared>>
      %dma_wait3A_240 = tpu.memref_slice %arg17[%mul3A_167] : memref<512xi32, #tpu.memory_space<vmem_shared>> -> memref<32xi32, #tpu.memory_space<vmem_shared>>
      tpu.wait_dma2 semaphore(%run_scoped3A : memref<!tpu.dma_semaphore, #tpu.memory_space<semaphore_mem>>) src(%arg13 : memref<32xi32, #tpu.memory_space<vmem>>) dst(%dma_wait3A_240 : memref<32xi32, #tpu.memory_space<vmem_shared>>)
      tpu.yield
    }) : () -> ()
    %barrier3A = arith.constant 0 : index
    tpu.barrier barrier_id(%barrier3A)
    "tpu.region"() ({
      %run_scoped3A = tpu.sem_alloc : memref<!tpu.dma_semaphore, #tpu.memory_space<semaphore_mem>>
      tpu.enqueue_dma source(%arg17 : memref<512xi32, #tpu.memory_space<vmem_shared>>) target(%arg12 : memref<512xi32, #tpu.memory_space<vmem>>) target_semaphore(%run_scoped3A : memref<!tpu.dma_semaphore, #tpu.memory_space<semaphore_mem>>)
      tpu.wait_dma2 semaphore(%run_scoped3A : memref<!tpu.dma_semaphore, #tpu.memory_space<semaphore_mem>>) src(%arg17 : memref<512xi32, #tpu.memory_space<vmem_shared>>) dst(%arg12 : memref<512xi32, #tpu.memory_space<vmem>>)
      tpu.yield
    }) : () -> ()
    %get3A_168 = arith.constant 0 : index
    %get3A_169 = tpu.vector_load %arg12[%get3A_168] {strides = array<i32>} : memref<512xi32, #tpu.memory_space<vmem>>, vector<16xi32>,
    %get3A_170 = vector.shape_cast %get3A_169 : vector<16xi32> to vector<16xi32>
    %get3A_171 = arith.constant 16 : index
    %get3A_172 = tpu.vector_load %arg12[%get3A_171] {strides = array<i32>} : memref<512xi32, #tpu.memory_space<vmem>>, vector<16xi32>,
    %get3A_173 = vector.shape_cast %get3A_172 : vector<16xi32> to vector<16xi32>
    %scan3A_174 = arith.constant 1 : i32
    %scan3A_175 = arith.constant 15 : i32
    %scan3A_176 = arith.addi %scan3A_174, %scan3A_175 : i32
    %scan3A_177 = arith.constant 1 : i32
    %scan3A_178:2 = scf.for %scan3A_238 = %scan3A_174 to %scan3A_176 step %scan3A_177 iter_args(%scan3A_239 = %get3A_170, %scan3A_240 = %get3A_173) -> (vector<16xi32>, vector<16xi32>)  : i32 {
      %mul3A_241 = arith.constant 2 : i32
      %mul3A_242 = arith.muli %scan3A_238, %mul3A_241 : i32
      %mul3A_243 = arith.constant 16 : i32
      %mul3A_244 = arith.muli %mul3A_242, %mul3A_243 : i32
      %get3A_245 = arith.index_cast %mul3A_244 : i32 to index
      %get3A_246 = tpu.vector_load %arg12[%get3A_245] {strides = array<i32>} : memref<512xi32, #tpu.memory_space<vmem>>, vector<16xi32>,
      %get3A_247 = vector.shape_cast %get3A_246 : vector<16xi32> to vector<16xi32>
      %min3A_248 = arith.minsi %scan3A_239, %get3A_247 : vector<16xi32>
      %mul3A_249 = arith.constant 2 : i32
      %mul3A_250 = arith.muli %scan3A_238, %mul3A_249 : i32
      %mul3A_251 = arith.constant 16 : i32
      %mul3A_252 = arith.muli %mul3A_250, %mul3A_251 : i32
      %add3A_253 = arith.constant 16 : i32
      %add3A_254 = arith.addi %mul3A_252, %add3A_253 : i32
      %get3A_255 = arith.index_cast %add3A_254 : i32 to index
      %get3A_256 = tpu.vector_load %arg12[%get3A_255] {strides = array<i32>} : memref<512xi32, #tpu.memory_space<vmem>>, vector<16xi32>,
      %get3A_257 = vector.shape_cast %get3A_256 : vector<16xi32> to vector<16xi32>
      %min3A_258 = arith.minsi %scan3A_240, %get3A_257 : vector<16xi32>
      scf.yield %min3A_248, %min3A_258 : vector<16xi32>, vector<16xi32>
    }
    %scan3A_179 = arith.constant 15 : i32
    %iota3A = tpu.iota {dimensions = array<i32: 0>} : vector<16xi32>
    %xor3A = arith.constant 1 : i32
    %xor3A_180 = vector.broadcast %xor3A : i32 to vector<16xi32>
    %xor3A_181 = arith.xori %iota3A, %xor3A_180 : vector<16xi32>
    %broadcast_in_dim3A = vector.shape_cast %xor3A_181 : vector<16xi32> to vector<16x1xi32>
    %gather3A = vector.shape_cast %broadcast_in_dim3A : vector<16x1xi32> to vector<16xi32>
    %gather3A_182 = tpu.dynamic_gather %scan3A_178#0[%gather3A] in [0] : vector<16xi32>, vector<16xi32> -> vector<16xi32>
    %min3A_183 = arith.minsi %scan3A_178#0, %gather3A_182 : vector<16xi32>
    %broadcast_in_dim3A_184 = vector.shape_cast %xor3A_181 : vector<16xi32> to vector<16x1xi32>
    %gather3A_185 = vector.shape_cast %broadcast_in_dim3A_184 : vector<16x1xi32> to vector<16xi32>
    %gather3A_186 = tpu.dynamic_gather %scan3A_178#1[%gather3A_185] in [0] : vector<16xi32>, vector<16xi32> -> vector<16xi32>
    %min3A_187 = arith.minsi %scan3A_178#1, %gather3A_186 : vector<16xi32>
    %xor3A_188 = arith.constant 2 : i32
    %xor3A_189 = vector.broadcast %xor3A_188 : i32 to vector<16xi32>
    %xor3A_190 = arith.xori %iota3A, %xor3A_189 : vector<16xi32>
    %broadcast_in_dim3A_191 = vector.shape_cast %xor3A_190 : vector<16xi32> to vector<16x1xi32>
    %gather3A_192 = vector.shape_cast %broadcast_in_dim3A_191 : vector<16x1xi32> to vector<16xi32>
    %gather3A_193 = tpu.dynamic_gather %min3A_183[%gather3A_192] in [0] : vector<16xi32>, vector<16xi32> -> vector<16xi32>
    %min3A_194 = arith.minsi %min3A_183, %gather3A_193 : vector<16xi32>
    %broadcast_in_dim3A_195 = vector.shape_cast %xor3A_190 : vector<16xi32> to vector<16x1xi32>
    %gather3A_196 = vector.shape_cast %broadcast_in_dim3A_195 : vector<16x1xi32> to vector<16xi32>
    %gather3A_197 = tpu.dynamic_gather %min3A_187[%gather3A_196] in [0] : vector<16xi32>, vector<16xi32> -> vector<16xi32>
    %min3A_198 = arith.minsi %min3A_187, %gather3A_197 : vector<16xi32>
    %xor3A_199 = arith.constant 4 : i32
    %xor3A_200 = vector.broadcast %xor3A_199 : i32 to vector<16xi32>
    %xor3A_201 = arith.xori %iota3A, %xor3A_200 : vector<16xi32>
    %broadcast_in_dim3A_202 = vector.shape_cast %xor3A_201 : vector<16xi32> to vector<16x1xi32>
    %gather3A_203 = vector.shape_cast %broadcast_in_dim3A_202 : vector<16x1xi32> to vector<16xi32>
    %gather3A_204 = tpu.dynamic_gather %min3A_194[%gather3A_203] in [0] : vector<16xi32>, vector<16xi32> -> vector<16xi32>
    %min3A_205 = arith.minsi %min3A_194, %gather3A_204 : vector<16xi32>
    %broadcast_in_dim3A_206 = vector.shape_cast %xor3A_201 : vector<16xi32> to vector<16x1xi32>
    %gather3A_207 = vector.shape_cast %broadcast_in_dim3A_206 : vector<16x1xi32> to vector<16xi32>
    %gather3A_208 = tpu.dynamic_gather %min3A_198[%gather3A_207] in [0] : vector<16xi32>, vector<16xi32> -> vector<16xi32>
    %min3A_209 = arith.minsi %min3A_198, %gather3A_208 : vector<16xi32>
    %xor3A_210 = arith.constant 8 : i32
    %xor3A_211 = vector.broadcast %xor3A_210 : i32 to vector<16xi32>
    %xor3A_212 = arith.xori %iota3A, %xor3A_211 : vector<16xi32>
    %broadcast_in_dim3A_213 = vector.shape_cast %xor3A_212 : vector<16xi32> to vector<16x1xi32>
    %gather3A_214 = vector.shape_cast %broadcast_in_dim3A_213 : vector<16x1xi32> to vector<16xi32>
    %gather3A_215 = tpu.dynamic_gather %min3A_205[%gather3A_214] in [0] : vector<16xi32>, vector<16xi32> -> vector<16xi32>
    %min3A_216 = arith.minsi %min3A_205, %gather3A_215 : vector<16xi32>
    %broadcast_in_dim3A_217 = vector.shape_cast %xor3A_212 : vector<16xi32> to vector<16x1xi32>
    %gather3A_218 = vector.shape_cast %broadcast_in_dim3A_217 : vector<16x1xi32> to vector<16xi32>
    %gather3A_219 = tpu.dynamic_gather %min3A_209[%gather3A_218] in [0] : vector<16xi32>, vector<16xi32> -> vector<16xi32>
    %min3A_220 = arith.minsi %min3A_209, %gather3A_219 : vector<16xi32>
    %mul3A_221 = arith.constant 2048 : i32
    %mul3A_222 = arith.muli %arg0, %mul3A_221 : i32
    %scan3A_223 = arith.constant 0 : i32
    %scan3A_224 = arith.constant 128 : i32
    %scan3A_225 = arith.addi %scan3A_223, %scan3A_224 : i32
    %scan3A_226 = arith.constant 8 : i32
    scf.for %scan3A_238 = %scan3A_223 to %scan3A_225 step %scan3A_226  : i32 {
      %mul3A_239 = arith.constant 1 : i32
      %mul3A_240 = arith.muli %scan3A_238, %mul3A_239 : i32
      %add3A_241 = arith.constant 0 : i32
      %add3A_242 = arith.addi %add3A_241, %mul3A_240 : i32
      %mul3A_243 = arith.constant 16 : i32
      %mul3A_244 = arith.muli %add3A_242, %mul3A_243 : i32
      %add3A_245 = arith.addi %mul3A_222, %mul3A_244 : i32
      %get3A_246 = arith.index_cast %add3A_245 : i32 to index
      %get3A_247 = tpu.vector_load %arg8[%get3A_246] {strides = array<i32>} : memref<4096xi32, #tpu.memory_space<vmem>>, vector<16xi32>,
      %get3A_248 = vector.shape_cast %get3A_247 : vector<16xi32> to vector<16xi32>
      %sub3A = arith.subi %get3A_248, %min3A_216 : vector<16xi32>
      %shift_right_arithmetic3A = arith.constant 4 : i32
      %shift_right_arithmetic3A_249 = vector.broadcast %shift_right_arithmetic3A : i32 to vector<16xi32>
      %shift_right_arithmetic3A_250 = arith.shrsi %sub3A, %shift_right_arithmetic3A_249 : vector<16xi32>
      %mul3A_251 = arith.constant 16 : i32
      %mul3A_252 = arith.muli %add3A_242, %mul3A_251 : i32
      %swap3A_253 = arith.index_cast %mul3A_252 : i32 to index
      %swap3A_254 = tpu.vector_load %arg10[%swap3A_253] {strides = array<i32>} : memref<2048xi32, #tpu.memory_space<vmem>>, vector<16xi32>,
      %swap3A_255 = vector.shape_cast %swap3A_254 : vector<16xi32> to vector<16xi32>
      %swap3A_256 = vector.shape_cast %shift_right_arithmetic3A_250 : vector<16xi32> to vector<16xi32>
      tpu.vector_store %arg10[%swap3A_253], %swap3A_256 {strides = array<i32>} : memref<2048xi32, #tpu.memory_space<vmem>>, vector<16xi32>,
      %mul3A_257 = arith.constant 16 : i32
      %mul3A_258 = arith.muli %add3A_242, %mul3A_257 : i32
      %add3A_259 = arith.addi %mul3A_222, %mul3A_258 : i32
      %get3A_260 = arith.index_cast %add3A_259 : i32 to index
      %get3A_261 = tpu.vector_load %arg9[%get3A_260] {strides = array<i32>} : memref<4096xi32, #tpu.memory_space<vmem>>, vector<16xi32>,
      %get3A_262 = vector.shape_cast %get3A_261 : vector<16xi32> to vector<16xi32>
      %sub3A_263 = arith.subi %get3A_262, %min3A_220 : vector<16xi32>
      %shift_right_arithmetic3A_264 = arith.constant 4 : i32
      %shift_right_arithmetic3A_265 = vector.broadcast %shift_right_arithmetic3A_264 : i32 to vector<16xi32>
      %shift_right_arithmetic3A_266 = arith.shrsi %sub3A_263, %shift_right_arithmetic3A_265 : vector<16xi32>
      %mul3A_267 = arith.constant 16 : i32
      %mul3A_268 = arith.muli %add3A_242, %mul3A_267 : i32
      %swap3A_269 = arith.index_cast %mul3A_268 : i32 to index
      %swap3A_270 = tpu.vector_load %arg11[%swap3A_269] {strides = array<i32>} : memref<2048xi32, #tpu.memory_space<vmem>>, vector<16xi32>,
      %swap3A_271 = vector.shape_cast %swap3A_270 : vector<16xi32> to vector<16xi32>
      %swap3A_272 = vector.shape_cast %shift_right_arithmetic3A_266 : vector<16xi32> to vector<16xi32>
      tpu.vector_store %arg11[%swap3A_269], %swap3A_272 {strides = array<i32>} : memref<2048xi32, #tpu.memory_space<vmem>>, vector<16xi32>,
      %scan3A_273 = arith.constant 1 : i32
      %scan3A_274 = arith.addi %scan3A_238, %scan3A_273 : i32
      %mul3A_275 = arith.constant 1 : i32
      %mul3A_276 = arith.muli %scan3A_274, %mul3A_275 : i32
      %add3A_277 = arith.constant 0 : i32
      %add3A_278 = arith.addi %add3A_277, %mul3A_276 : i32
      %mul3A_279 = arith.constant 16 : i32
      %mul3A_280 = arith.muli %add3A_278, %mul3A_279 : i32
      %add3A_281 = arith.addi %mul3A_222, %mul3A_280 : i32
      %get3A_282 = arith.index_cast %add3A_281 : i32 to index
      %get3A_283 = tpu.vector_load %arg8[%get3A_282] {strides = array<i32>} : memref<4096xi32, #tpu.memory_space<vmem>>, vector<16xi32>,
      %get3A_284 = vector.shape_cast %get3A_283 : vector<16xi32> to vector<16xi32>
      %sub3A_285 = arith.subi %get3A_284, %min3A_216 : vector<16xi32>
      %shift_right_arithmetic3A_286 = arith.constant 4 : i32
      %shift_right_arithmetic3A_287 = vector.broadcast %shift_right_arithmetic3A_286 : i32 to vector<16xi32>
      %shift_right_arithmetic3A_288 = arith.shrsi %sub3A_285, %shift_right_arithmetic3A_287 : vector<16xi32>
      %mul3A_289 = arith.constant 16 : i32
      %mul3A_290 = arith.muli %add3A_278, %mul3A_289 : i32
      %swap3A_291 = arith.index_cast %mul3A_290 : i32 to index
      %swap3A_292 = tpu.vector_load %arg10[%swap3A_291] {strides = array<i32>} : memref<2048xi32, #tpu.memory_space<vmem>>, vector<16xi32>,
      %swap3A_293 = vector.shape_cast %swap3A_292 : vector<16xi32> to vector<16xi32>
      %swap3A_294 = vector.shape_cast %shift_right_arithmetic3A_288 : vector<16xi32> to vector<16xi32>
      tpu.vector_store %arg10[%swap3A_291], %swap3A_294 {strides = array<i32>} : memref<2048xi32, #tpu.memory_space<vmem>>, vector<16xi32>,
      %mul3A_295 = arith.constant 16 : i32
      %mul3A_296 = arith.muli %add3A_278, %mul3A_295 : i32
      %add3A_297 = arith.addi %mul3A_222, %mul3A_296 : i32
      %get3A_298 = arith.index_cast %add3A_297 : i32 to index
      %get3A_299 = tpu.vector_load %arg9[%get3A_298] {strides = array<i32>} : memref<4096xi32, #tpu.memory_space<vmem>>, vector<16xi32>,
      %get3A_300 = vector.shape_cast %get3A_299 : vector<16xi32> to vector<16xi32>
      %sub3A_301 = arith.subi %get3A_300, %min3A_220 : vector<16xi32>
      %shift_right_arithmetic3A_302 = arith.constant 4 : i32
      %shift_right_arithmetic3A_303 = vector.broadcast %shift_right_arithmetic3A_302 : i32 to vector<16xi32>
      %shift_right_arithmetic3A_304 = arith.shrsi %sub3A_301, %shift_right_arithmetic3A_303 : vector<16xi32>
      %mul3A_305 = arith.constant 16 : i32
      %mul3A_306 = arith.muli %add3A_278, %mul3A_305 : i32
      %swap3A_307 = arith.index_cast %mul3A_306 : i32 to index
      %swap3A_308 = tpu.vector_load %arg11[%swap3A_307] {strides = array<i32>} : memref<2048xi32, #tpu.memory_space<vmem>>, vector<16xi32>,
      %swap3A_309 = vector.shape_cast %swap3A_308 : vector<16xi32> to vector<16xi32>
      %swap3A_310 = vector.shape_cast %shift_right_arithmetic3A_304 : vector<16xi32> to vector<16xi32>
      tpu.vector_store %arg11[%swap3A_307], %swap3A_310 {strides = array<i32>} : memref<2048xi32, #tpu.memory_space<vmem>>, vector<16xi32>,
      %scan3A_311 = arith.constant 2 : i32
      %scan3A_312 = arith.addi %scan3A_238, %scan3A_311 : i32
      %mul3A_313 = arith.constant 1 : i32
      %mul3A_314 = arith.muli %scan3A_312, %mul3A_313 : i32
      %add3A_315 = arith.constant 0 : i32
      %add3A_316 = arith.addi %add3A_315, %mul3A_314 : i32
      %mul3A_317 = arith.constant 16 : i32
      %mul3A_318 = arith.muli %add3A_316, %mul3A_317 : i32
      %add3A_319 = arith.addi %mul3A_222, %mul3A_318 : i32
      %get3A_320 = arith.index_cast %add3A_319 : i32 to index
      %get3A_321 = tpu.vector_load %arg8[%get3A_320] {strides = array<i32>} : memref<4096xi32, #tpu.memory_space<vmem>>, vector<16xi32>,
      %get3A_322 = vector.shape_cast %get3A_321 : vector<16xi32> to vector<16xi32>
      %sub3A_323 = arith.subi %get3A_322, %min3A_216 : vector<16xi32>
      %shift_right_arithmetic3A_324 = arith.constant 4 : i32
      %shift_right_arithmetic3A_325 = vector.broadcast %shift_right_arithmetic3A_324 : i32 to vector<16xi32>
      %shift_right_arithmetic3A_326 = arith.shrsi %sub3A_323, %shift_right_arithmetic3A_325 : vector<16xi32>
      %mul3A_327 = arith.constant 16 : i32
      %mul3A_328 = arith.muli %add3A_316, %mul3A_327 : i32
      %swap3A_329 = arith.index_cast %mul3A_328 : i32 to index
      %swap3A_330 = tpu.vector_load %arg10[%swap3A_329] {strides = array<i32>} : memref<2048xi32, #tpu.memory_space<vmem>>, vector<16xi32>,
      %swap3A_331 = vector.shape_cast %swap3A_330 : vector<16xi32> to vector<16xi32>
      %swap3A_332 = vector.shape_cast %shift_right_arithmetic3A_326 : vector<16xi32> to vector<16xi32>
      tpu.vector_store %arg10[%swap3A_329], %swap3A_332 {strides = array<i32>} : memref<2048xi32, #tpu.memory_space<vmem>>, vector<16xi32>,
      %mul3A_333 = arith.constant 16 : i32
      %mul3A_334 = arith.muli %add3A_316, %mul3A_333 : i32
      %add3A_335 = arith.addi %mul3A_222, %mul3A_334 : i32
      %get3A_336 = arith.index_cast %add3A_335 : i32 to index
      %get3A_337 = tpu.vector_load %arg9[%get3A_336] {strides = array<i32>} : memref<4096xi32, #tpu.memory_space<vmem>>, vector<16xi32>,
      %get3A_338 = vector.shape_cast %get3A_337 : vector<16xi32> to vector<16xi32>
      %sub3A_339 = arith.subi %get3A_338, %min3A_220 : vector<16xi32>
      %shift_right_arithmetic3A_340 = arith.constant 4 : i32
      %shift_right_arithmetic3A_341 = vector.broadcast %shift_right_arithmetic3A_340 : i32 to vector<16xi32>
      %shift_right_arithmetic3A_342 = arith.shrsi %sub3A_339, %shift_right_arithmetic3A_341 : vector<16xi32>
      %mul3A_343 = arith.constant 16 : i32
      %mul3A_344 = arith.muli %add3A_316, %mul3A_343 : i32
      %swap3A_345 = arith.index_cast %mul3A_344 : i32 to index
      %swap3A_346 = tpu.vector_load %arg11[%swap3A_345] {strides = array<i32>} : memref<2048xi32, #tpu.memory_space<vmem>>, vector<16xi32>,
      %swap3A_347 = vector.shape_cast %swap3A_346 : vector<16xi32> to vector<16xi32>
      %swap3A_348 = vector.shape_cast %shift_right_arithmetic3A_342 : vector<16xi32> to vector<16xi32>
      tpu.vector_store %arg11[%swap3A_345], %swap3A_348 {strides = array<i32>} : memref<2048xi32, #tpu.memory_space<vmem>>, vector<16xi32>,
      %scan3A_349 = arith.constant 3 : i32
      %scan3A_350 = arith.addi %scan3A_238, %scan3A_349 : i32
      %mul3A_351 = arith.constant 1 : i32
      %mul3A_352 = arith.muli %scan3A_350, %mul3A_351 : i32
      %add3A_353 = arith.constant 0 : i32
      %add3A_354 = arith.addi %add3A_353, %mul3A_352 : i32
      %mul3A_355 = arith.constant 16 : i32
      %mul3A_356 = arith.muli %add3A_354, %mul3A_355 : i32
      %add3A_357 = arith.addi %mul3A_222, %mul3A_356 : i32
      %get3A_358 = arith.index_cast %add3A_357 : i32 to index
      %get3A_359 = tpu.vector_load %arg8[%get3A_358] {strides = array<i32>} : memref<4096xi32, #tpu.memory_space<vmem>>, vector<16xi32>,
      %get3A_360 = vector.shape_cast %get3A_359 : vector<16xi32> to vector<16xi32>
      %sub3A_361 = arith.subi %get3A_360, %min3A_216 : vector<16xi32>
      %shift_right_arithmetic3A_362 = arith.constant 4 : i32
      %shift_right_arithmetic3A_363 = vector.broadcast %shift_right_arithmetic3A_362 : i32 to vector<16xi32>
      %shift_right_arithmetic3A_364 = arith.shrsi %sub3A_361, %shift_right_arithmetic3A_363 : vector<16xi32>
      %mul3A_365 = arith.constant 16 : i32
      %mul3A_366 = arith.muli %add3A_354, %mul3A_365 : i32
      %swap3A_367 = arith.index_cast %mul3A_366 : i32 to index
      %swap3A_368 = tpu.vector_load %arg10[%swap3A_367] {strides = array<i32>} : memref<2048xi32, #tpu.memory_space<vmem>>, vector<16xi32>,
      %swap3A_369 = vector.shape_cast %swap3A_368 : vector<16xi32> to vector<16xi32>
      %swap3A_370 = vector.shape_cast %shift_right_arithmetic3A_364 : vector<16xi32> to vector<16xi32>
      tpu.vector_store %arg10[%swap3A_367], %swap3A_370 {strides = array<i32>} : memref<2048xi32, #tpu.memory_space<vmem>>, vector<16xi32>,
      %mul3A_371 = arith.constant 16 : i32
      %mul3A_372 = arith.muli %add3A_354, %mul3A_371 : i32
      %add3A_373 = arith.addi %mul3A_222, %mul3A_372 : i32
      %get3A_374 = arith.index_cast %add3A_373 : i32 to index
      %get3A_375 = tpu.vector_load %arg9[%get3A_374] {strides = array<i32>} : memref<4096xi32, #tpu.memory_space<vmem>>, vector<16xi32>,
      %get3A_376 = vector.shape_cast %get3A_375 : vector<16xi32> to vector<16xi32>
      %sub3A_377 = arith.subi %get3A_376, %min3A_220 : vector<16xi32>
      %shift_right_arithmetic3A_378 = arith.constant 4 : i32
      %shift_right_arithmetic3A_379 = vector.broadcast %shift_right_arithmetic3A_378 : i32 to vector<16xi32>
      %shift_right_arithmetic3A_380 = arith.shrsi %sub3A_377, %shift_right_arithmetic3A_379 : vector<16xi32>
      %mul3A_381 = arith.constant 16 : i32
      %mul3A_382 = arith.muli %add3A_354, %mul3A_381 : i32
      %swap3A_383 = arith.index_cast %mul3A_382 : i32 to index
      %swap3A_384 = tpu.vector_load %arg11[%swap3A_383] {strides = array<i32>} : memref<2048xi32, #tpu.memory_space<vmem>>, vector<16xi32>,
      %swap3A_385 = vector.shape_cast %swap3A_384 : vector<16xi32> to vector<16xi32>
      %swap3A_386 = vector.shape_cast %shift_right_arithmetic3A_380 : vector<16xi32> to vector<16xi32>
      tpu.vector_store %arg11[%swap3A_383], %swap3A_386 {strides = array<i32>} : memref<2048xi32, #tpu.memory_space<vmem>>, vector<16xi32>,
      %scan3A_387 = arith.constant 4 : i32
      %scan3A_388 = arith.addi %scan3A_238, %scan3A_387 : i32
      %mul3A_389 = arith.constant 1 : i32
      %mul3A_390 = arith.muli %scan3A_388, %mul3A_389 : i32
      %add3A_391 = arith.constant 0 : i32
      %add3A_392 = arith.addi %add3A_391, %mul3A_390 : i32
      %mul3A_393 = arith.constant 16 : i32
      %mul3A_394 = arith.muli %add3A_392, %mul3A_393 : i32
      %add3A_395 = arith.addi %mul3A_222, %mul3A_394 : i32
      %get3A_396 = arith.index_cast %add3A_395 : i32 to index
      %get3A_397 = tpu.vector_load %arg8[%get3A_396] {strides = array<i32>} : memref<4096xi32, #tpu.memory_space<vmem>>, vector<16xi32>,
      %get3A_398 = vector.shape_cast %get3A_397 : vector<16xi32> to vector<16xi32>
      %sub3A_399 = arith.subi %get3A_398, %min3A_216 : vector<16xi32>
      %shift_right_arithmetic3A_400 = arith.constant 4 : i32
      %shift_right_arithmetic3A_401 = vector.broadcast %shift_right_arithmetic3A_400 : i32 to vector<16xi32>
      %shift_right_arithmetic3A_402 = arith.shrsi %sub3A_399, %shift_right_arithmetic3A_401 : vector<16xi32>
      %mul3A_403 = arith.constant 16 : i32
      %mul3A_404 = arith.muli %add3A_392, %mul3A_403 : i32
      %swap3A_405 = arith.index_cast %mul3A_404 : i32 to index
      %swap3A_406 = tpu.vector_load %arg10[%swap3A_405] {strides = array<i32>} : memref<2048xi32, #tpu.memory_space<vmem>>, vector<16xi32>,
      %swap3A_407 = vector.shape_cast %swap3A_406 : vector<16xi32> to vector<16xi32>
      %swap3A_408 = vector.shape_cast %shift_right_arithmetic3A_402 : vector<16xi32> to vector<16xi32>
      tpu.vector_store %arg10[%swap3A_405], %swap3A_408 {strides = array<i32>} : memref<2048xi32, #tpu.memory_space<vmem>>, vector<16xi32>,
      %mul3A_409 = arith.constant 16 : i32
      %mul3A_410 = arith.muli %add3A_392, %mul3A_409 : i32
      %add3A_411 = arith.addi %mul3A_222, %mul3A_410 : i32
      %get3A_412 = arith.index_cast %add3A_411 : i32 to index
      %get3A_413 = tpu.vector_load %arg9[%get3A_412] {strides = array<i32>} : memref<4096xi32, #tpu.memory_space<vmem>>, vector<16xi32>,
      %get3A_414 = vector.shape_cast %get3A_413 : vector<16xi32> to vector<16xi32>
      %sub3A_415 = arith.subi %get3A_414, %min3A_220 : vector<16xi32>
      %shift_right_arithmetic3A_416 = arith.constant 4 : i32
      %shift_right_arithmetic3A_417 = vector.broadcast %shift_right_arithmetic3A_416 : i32 to vector<16xi32>
      %shift_right_arithmetic3A_418 = arith.shrsi %sub3A_415, %shift_right_arithmetic3A_417 : vector<16xi32>
      %mul3A_419 = arith.constant 16 : i32
      %mul3A_420 = arith.muli %add3A_392, %mul3A_419 : i32
      %swap3A_421 = arith.index_cast %mul3A_420 : i32 to index
      %swap3A_422 = tpu.vector_load %arg11[%swap3A_421] {strides = array<i32>} : memref<2048xi32, #tpu.memory_space<vmem>>, vector<16xi32>,
      %swap3A_423 = vector.shape_cast %swap3A_422 : vector<16xi32> to vector<16xi32>
      %swap3A_424 = vector.shape_cast %shift_right_arithmetic3A_418 : vector<16xi32> to vector<16xi32>
      tpu.vector_store %arg11[%swap3A_421], %swap3A_424 {strides = array<i32>} : memref<2048xi32, #tpu.memory_space<vmem>>, vector<16xi32>,
      %scan3A_425 = arith.constant 5 : i32
      %scan3A_426 = arith.addi %scan3A_238, %scan3A_425 : i32
      %mul3A_427 = arith.constant 1 : i32
      %mul3A_428 = arith.muli %scan3A_426, %mul3A_427 : i32
      %add3A_429 = arith.constant 0 : i32
      %add3A_430 = arith.addi %add3A_429, %mul3A_428 : i32
      %mul3A_431 = arith.constant 16 : i32
      %mul3A_432 = arith.muli %add3A_430, %mul3A_431 : i32
      %add3A_433 = arith.addi %mul3A_222, %mul3A_432 : i32
      %get3A_434 = arith.index_cast %add3A_433 : i32 to index
      %get3A_435 = tpu.vector_load %arg8[%get3A_434] {strides = array<i32>} : memref<4096xi32, #tpu.memory_space<vmem>>, vector<16xi32>,
      %get3A_436 = vector.shape_cast %get3A_435 : vector<16xi32> to vector<16xi32>
      %sub3A_437 = arith.subi %get3A_436, %min3A_216 : vector<16xi32>
      %shift_right_arithmetic3A_438 = arith.constant 4 : i32
      %shift_right_arithmetic3A_439 = vector.broadcast %shift_right_arithmetic3A_438 : i32 to vector<16xi32>
      %shift_right_arithmetic3A_440 = arith.shrsi %sub3A_437, %shift_right_arithmetic3A_439 : vector<16xi32>
      %mul3A_441 = arith.constant 16 : i32
      %mul3A_442 = arith.muli %add3A_430, %mul3A_441 : i32
      %swap3A_443 = arith.index_cast %mul3A_442 : i32 to index
      %swap3A_444 = tpu.vector_load %arg10[%swap3A_443] {strides = array<i32>} : memref<2048xi32, #tpu.memory_space<vmem>>, vector<16xi32>,
      %swap3A_445 = vector.shape_cast %swap3A_444 : vector<16xi32> to vector<16xi32>
      %swap3A_446 = vector.shape_cast %shift_right_arithmetic3A_440 : vector<16xi32> to vector<16xi32>
      tpu.vector_store %arg10[%swap3A_443], %swap3A_446 {strides = array<i32>} : memref<2048xi32, #tpu.memory_space<vmem>>, vector<16xi32>,
      %mul3A_447 = arith.constant 16 : i32
      %mul3A_448 = arith.muli %add3A_430, %mul3A_447 : i32
      %add3A_449 = arith.addi %mul3A_222, %mul3A_448 : i32
      %get3A_450 = arith.index_cast %add3A_449 : i32 to index
      %get3A_451 = tpu.vector_load %arg9[%get3A_450] {strides = array<i32>} : memref<4096xi32, #tpu.memory_space<vmem>>, vector<16xi32>,
      %get3A_452 = vector.shape_cast %get3A_451 : vector<16xi32> to vector<16xi32>
      %sub3A_453 = arith.subi %get3A_452, %min3A_220 : vector<16xi32>
      %shift_right_arithmetic3A_454 = arith.constant 4 : i32
      %shift_right_arithmetic3A_455 = vector.broadcast %shift_right_arithmetic3A_454 : i32 to vector<16xi32>
      %shift_right_arithmetic3A_456 = arith.shrsi %sub3A_453, %shift_right_arithmetic3A_455 : vector<16xi32>
      %mul3A_457 = arith.constant 16 : i32
      %mul3A_458 = arith.muli %add3A_430, %mul3A_457 : i32
      %swap3A_459 = arith.index_cast %mul3A_458 : i32 to index
      %swap3A_460 = tpu.vector_load %arg11[%swap3A_459] {strides = array<i32>} : memref<2048xi32, #tpu.memory_space<vmem>>, vector<16xi32>,
      %swap3A_461 = vector.shape_cast %swap3A_460 : vector<16xi32> to vector<16xi32>
      %swap3A_462 = vector.shape_cast %shift_right_arithmetic3A_456 : vector<16xi32> to vector<16xi32>
      tpu.vector_store %arg11[%swap3A_459], %swap3A_462 {strides = array<i32>} : memref<2048xi32, #tpu.memory_space<vmem>>, vector<16xi32>,
      %scan3A_463 = arith.constant 6 : i32
      %scan3A_464 = arith.addi %scan3A_238, %scan3A_463 : i32
      %mul3A_465 = arith.constant 1 : i32
      %mul3A_466 = arith.muli %scan3A_464, %mul3A_465 : i32
      %add3A_467 = arith.constant 0 : i32
      %add3A_468 = arith.addi %add3A_467, %mul3A_466 : i32
      %mul3A_469 = arith.constant 16 : i32
      %mul3A_470 = arith.muli %add3A_468, %mul3A_469 : i32
      %add3A_471 = arith.addi %mul3A_222, %mul3A_470 : i32
      %get3A_472 = arith.index_cast %add3A_471 : i32 to index
      %get3A_473 = tpu.vector_load %arg8[%get3A_472] {strides = array<i32>} : memref<4096xi32, #tpu.memory_space<vmem>>, vector<16xi32>,
      %get3A_474 = vector.shape_cast %get3A_473 : vector<16xi32> to vector<16xi32>
      %sub3A_475 = arith.subi %get3A_474, %min3A_216 : vector<16xi32>
      %shift_right_arithmetic3A_476 = arith.constant 4 : i32
      %shift_right_arithmetic3A_477 = vector.broadcast %shift_right_arithmetic3A_476 : i32 to vector<16xi32>
      %shift_right_arithmetic3A_478 = arith.shrsi %sub3A_475, %shift_right_arithmetic3A_477 : vector<16xi32>
      %mul3A_479 = arith.constant 16 : i32
      %mul3A_480 = arith.muli %add3A_468, %mul3A_479 : i32
      %swap3A_481 = arith.index_cast %mul3A_480 : i32 to index
      %swap3A_482 = tpu.vector_load %arg10[%swap3A_481] {strides = array<i32>} : memref<2048xi32, #tpu.memory_space<vmem>>, vector<16xi32>,
      %swap3A_483 = vector.shape_cast %swap3A_482 : vector<16xi32> to vector<16xi32>
      %swap3A_484 = vector.shape_cast %shift_right_arithmetic3A_478 : vector<16xi32> to vector<16xi32>
      tpu.vector_store %arg10[%swap3A_481], %swap3A_484 {strides = array<i32>} : memref<2048xi32, #tpu.memory_space<vmem>>, vector<16xi32>,
      %mul3A_485 = arith.constant 16 : i32
      %mul3A_486 = arith.muli %add3A_468, %mul3A_485 : i32
      %add3A_487 = arith.addi %mul3A_222, %mul3A_486 : i32
      %get3A_488 = arith.index_cast %add3A_487 : i32 to index
      %get3A_489 = tpu.vector_load %arg9[%get3A_488] {strides = array<i32>} : memref<4096xi32, #tpu.memory_space<vmem>>, vector<16xi32>,
      %get3A_490 = vector.shape_cast %get3A_489 : vector<16xi32> to vector<16xi32>
      %sub3A_491 = arith.subi %get3A_490, %min3A_220 : vector<16xi32>
      %shift_right_arithmetic3A_492 = arith.constant 4 : i32
      %shift_right_arithmetic3A_493 = vector.broadcast %shift_right_arithmetic3A_492 : i32 to vector<16xi32>
      %shift_right_arithmetic3A_494 = arith.shrsi %sub3A_491, %shift_right_arithmetic3A_493 : vector<16xi32>
      %mul3A_495 = arith.constant 16 : i32
      %mul3A_496 = arith.muli %add3A_468, %mul3A_495 : i32
      %swap3A_497 = arith.index_cast %mul3A_496 : i32 to index
      %swap3A_498 = tpu.vector_load %arg11[%swap3A_497] {strides = array<i32>} : memref<2048xi32, #tpu.memory_space<vmem>>, vector<16xi32>,
      %swap3A_499 = vector.shape_cast %swap3A_498 : vector<16xi32> to vector<16xi32>
      %swap3A_500 = vector.shape_cast %shift_right_arithmetic3A_494 : vector<16xi32> to vector<16xi32>
      tpu.vector_store %arg11[%swap3A_497], %swap3A_500 {strides = array<i32>} : memref<2048xi32, #tpu.memory_space<vmem>>, vector<16xi32>,
      %scan3A_501 = arith.constant 7 : i32
      %scan3A_502 = arith.addi %scan3A_238, %scan3A_501 : i32
      %mul3A_503 = arith.constant 1 : i32
      %mul3A_504 = arith.muli %scan3A_502, %mul3A_503 : i32
      %add3A_505 = arith.constant 0 : i32
      %add3A_506 = arith.addi %add3A_505, %mul3A_504 : i32
      %mul3A_507 = arith.constant 16 : i32
      %mul3A_508 = arith.muli %add3A_506, %mul3A_507 : i32
      %add3A_509 = arith.addi %mul3A_222, %mul3A_508 : i32
      %get3A_510 = arith.index_cast %add3A_509 : i32 to index
      %get3A_511 = tpu.vector_load %arg8[%get3A_510] {strides = array<i32>} : memref<4096xi32, #tpu.memory_space<vmem>>, vector<16xi32>,
      %get3A_512 = vector.shape_cast %get3A_511 : vector<16xi32> to vector<16xi32>
      %sub3A_513 = arith.subi %get3A_512, %min3A_216 : vector<16xi32>
      %shift_right_arithmetic3A_514 = arith.constant 4 : i32
      %shift_right_arithmetic3A_515 = vector.broadcast %shift_right_arithmetic3A_514 : i32 to vector<16xi32>
      %shift_right_arithmetic3A_516 = arith.shrsi %sub3A_513, %shift_right_arithmetic3A_515 : vector<16xi32>
      %mul3A_517 = arith.constant 16 : i32
      %mul3A_518 = arith.muli %add3A_506, %mul3A_517 : i32
      %swap3A_519 = arith.index_cast %mul3A_518 : i32 to index
      %swap3A_520 = tpu.vector_load %arg10[%swap3A_519] {strides = array<i32>} : memref<2048xi32, #tpu.memory_space<vmem>>, vector<16xi32>,
      %swap3A_521 = vector.shape_cast %swap3A_520 : vector<16xi32> to vector<16xi32>
      %swap3A_522 = vector.shape_cast %shift_right_arithmetic3A_516 : vector<16xi32> to vector<16xi32>
      tpu.vector_store %arg10[%swap3A_519], %swap3A_522 {strides = array<i32>} : memref<2048xi32, #tpu.memory_space<vmem>>, vector<16xi32>,
      %mul3A_523 = arith.constant 16 : i32
      %mul3A_524 = arith.muli %add3A_506, %mul3A_523 : i32
      %add3A_525 = arith.addi %mul3A_222, %mul3A_524 : i32
      %get3A_526 = arith.index_cast %add3A_525 : i32 to index
      %get3A_527 = tpu.vector_load %arg9[%get3A_526] {strides = array<i32>} : memref<4096xi32, #tpu.memory_space<vmem>>, vector<16xi32>,
      %get3A_528 = vector.shape_cast %get3A_527 : vector<16xi32> to vector<16xi32>
      %sub3A_529 = arith.subi %get3A_528, %min3A_220 : vector<16xi32>
      %shift_right_arithmetic3A_530 = arith.constant 4 : i32
      %shift_right_arithmetic3A_531 = vector.broadcast %shift_right_arithmetic3A_530 : i32 to vector<16xi32>
      %shift_right_arithmetic3A_532 = arith.shrsi %sub3A_529, %shift_right_arithmetic3A_531 : vector<16xi32>
      %mul3A_533 = arith.constant 16 : i32
      %mul3A_534 = arith.muli %add3A_506, %mul3A_533 : i32
      %swap3A_535 = arith.index_cast %mul3A_534 : i32 to index
      %swap3A_536 = tpu.vector_load %arg11[%swap3A_535] {strides = array<i32>} : memref<2048xi32, #tpu.memory_space<vmem>>, vector<16xi32>,
      %swap3A_537 = vector.shape_cast %swap3A_536 : vector<16xi32> to vector<16xi32>
      %swap3A_538 = vector.shape_cast %shift_right_arithmetic3A_532 : vector<16xi32> to vector<16xi32>
      tpu.vector_store %arg11[%swap3A_535], %swap3A_538 {strides = array<i32>} : memref<2048xi32, #tpu.memory_space<vmem>>, vector<16xi32>,
    }
    %scan3A_227 = arith.constant 128 : i32
    %scan3A_228 = arith.constant 0 : i32
    %scan3A_229 = arith.constant 18 : i32
    %scan3A_230 = arith.addi %scan3A_228, %scan3A_229 : i32
    %scan3A_231 = arith.constant 1 : i32
    scf.for %scan3A_238 = %scan3A_228 to %scan3A_230 step %scan3A_231  : i32 {
      %mul3A_239 = arith.constant 1 : i32
      %mul3A_240 = arith.muli %scan3A_238, %mul3A_239 : i32
      %add3A_241 = arith.constant 0 : i32
      %add3A_242 = arith.addi %add3A_241, %mul3A_240 : i32
      %ge3A = arith.constant 2 : i32
      %ge3A_243 = arith.cmpi sge, %add3A_242, %ge3A : i32
      %convert_element_type3A = arith.extui %ge3A_243 : i1 to i32
      %cond3A = arith.constant 0 : i32
      %cond3A_244 = arith.cmpi ne, %convert_element_type3A, %cond3A : i32
      scf.if %cond3A_244 {
        %sub3A = arith.constant 2 : i32
        %sub3A_258 = arith.subi %add3A_242, %sub3A : i32
        %and3A_259 = arith.constant 3 : i32
        %and3A_260 = arith.andi %sub3A_258, %and3A_259 : i32
        %mul3A_261 = arith.constant 128 : i32
        %mul3A_262 = arith.muli %sub3A_258, %mul3A_261 : i32
        %add3A_263 = arith.addi %mul3A_2, %mul3A_262 : i32
        %dma_wait3A = arith.constant 0 : i32
        %dma_wait3A_264 = arith.constant 0 : i32
        %dma_wait3A_265 = tpu.memref_slice %arg14[%and3A_260, %dma_wait3A, %dma_wait3A_264] : memref<4x128x128xf32, #tpu.memory_space<vmem>> -> memref<1x128x128xf32, #tpu.memory_space<vmem>>
        %dma_wait3A_266 = tpu.memref_squeeze %dma_wait3A_265 : memref<1x128x128xf32, #tpu.memory_space<vmem>> -> memref<128x128xf32, #tpu.memory_space<vmem>>
        %dma_wait3A_267 = arith.constant 0 : i32
        %dma_wait3A_268 = tpu.memref_slice %arg2[%add3A_263, %dma_wait3A_267] : memref<65536x128xf32, #tpu.memory_space<hbm>> -> memref<128x128xf32, #tpu.memory_space<hbm>>
        %dma_wait3A_269 = tpu.memref_slice %arg19[%and3A_260] : memref<4x!tpu.dma_semaphore, #tpu.memory_space<semaphore_mem>> -> memref<1x!tpu.dma_semaphore, #tpu.memory_space<semaphore_mem>>
        %dma_wait3A_270 = tpu.memref_squeeze %dma_wait3A_269 : memref<1x!tpu.dma_semaphore, #tpu.memory_space<semaphore_mem>> -> memref<!tpu.dma_semaphore, #tpu.memory_space<semaphore_mem>>
        %dma_wait3A_271 = arith.constant 0 : i32
        %dma_wait3A_272 = arith.constant 0 : i32
        %dma_wait3A_273 = tpu.memref_slice %arg14[%and3A_260, %dma_wait3A_271, %dma_wait3A_272] : memref<4x128x128xf32, #tpu.memory_space<vmem>> -> memref<1x128x128xf32, #tpu.memory_space<vmem>>
        %dma_wait3A_274 = tpu.memref_squeeze %dma_wait3A_273 : memref<1x128x128xf32, #tpu.memory_space<vmem>> -> memref<128x128xf32, #tpu.memory_space<vmem>>
        %dma_wait3A_275 = arith.constant 0 : i32
        %dma_wait3A_276 = tpu.memref_slice %arg2[%add3A_263, %dma_wait3A_275] : memref<65536x128xf32, #tpu.memory_space<hbm>> -> memref<128x128xf32, #tpu.memory_space<hbm>>
        tpu.wait_dma2 semaphore(%dma_wait3A_270 : memref<!tpu.dma_semaphore, #tpu.memory_space<semaphore_mem>>) src(%dma_wait3A_276 : memref<128x128xf32, #tpu.memory_space<hbm>>) dst(%dma_wait3A_274 : memref<128x128xf32, #tpu.memory_space<vmem>>)
        %mul3A_277 = arith.constant 128 : i32
        %mul3A_278 = arith.muli %sub3A_258, %mul3A_277 : i32
        %add3A_279 = arith.addi %mul3A_2, %mul3A_278 : i32
        %dma_wait3A_280 = arith.constant 0 : i32
        %dma_wait3A_281 = arith.constant 0 : i32
        %dma_wait3A_282 = tpu.memref_slice %arg14[%and3A_260, %dma_wait3A_280, %dma_wait3A_281] : memref<4x128x128xf32, #tpu.memory_space<vmem>> -> memref<1x128x128xf32, #tpu.memory_space<vmem>>
        %dma_wait3A_283 = tpu.memref_squeeze %dma_wait3A_282 : memref<1x128x128xf32, #tpu.memory_space<vmem>> -> memref<128x128xf32, #tpu.memory_space<vmem>>
        %dma_wait3A_284 = arith.constant 0 : i32
        %dma_wait3A_285 = tpu.memref_slice %arg2[%add3A_279, %dma_wait3A_284] : memref<65536x128xf32, #tpu.memory_space<hbm>> -> memref<128x128xf32, #tpu.memory_space<hbm>>
        %dma_wait3A_286 = tpu.memref_slice %arg19[%and3A_260] : memref<4x!tpu.dma_semaphore, #tpu.memory_space<semaphore_mem>> -> memref<1x!tpu.dma_semaphore, #tpu.memory_space<semaphore_mem>>
        %dma_wait3A_287 = tpu.memref_squeeze %dma_wait3A_286 : memref<1x!tpu.dma_semaphore, #tpu.memory_space<semaphore_mem>> -> memref<!tpu.dma_semaphore, #tpu.memory_space<semaphore_mem>>
        %dma_wait3A_288 = arith.constant 0 : i32
        %dma_wait3A_289 = arith.constant 0 : i32
        %dma_wait3A_290 = tpu.memref_slice %arg14[%and3A_260, %dma_wait3A_288, %dma_wait3A_289] : memref<4x128x128xf32, #tpu.memory_space<vmem>> -> memref<1x128x128xf32, #tpu.memory_space<vmem>>
        %dma_wait3A_291 = tpu.memref_squeeze %dma_wait3A_290 : memref<1x128x128xf32, #tpu.memory_space<vmem>> -> memref<128x128xf32, #tpu.memory_space<vmem>>
        %dma_wait3A_292 = arith.constant 0 : i32
        %dma_wait3A_293 = tpu.memref_slice %arg2[%add3A_279, %dma_wait3A_292] : memref<65536x128xf32, #tpu.memory_space<hbm>> -> memref<128x128xf32, #tpu.memory_space<hbm>>
        tpu.wait_dma2 semaphore(%dma_wait3A_287 : memref<!tpu.dma_semaphore, #tpu.memory_space<semaphore_mem>>) src(%dma_wait3A_293 : memref<128x128xf32, #tpu.memory_space<hbm>>) dst(%dma_wait3A_291 : memref<128x128xf32, #tpu.memory_space<vmem>>)
        %mul3A_294 = arith.constant 128 : i32
        %mul3A_295 = arith.muli %sub3A_258, %mul3A_294 : i32
        %add3A_296 = arith.addi %mul3A_2, %mul3A_295 : i32
        %dma_start3A_297 = arith.constant 0 : i32
        %dma_start3A_298 = arith.constant 0 : i32
        %dma_start3A_299 = tpu.memref_slice %arg14[%and3A_260, %dma_start3A_297, %dma_start3A_298] : memref<4x128x128xf32, #tpu.memory_space<vmem>> -> memref<1x128x128xf32, #tpu.memory_space<vmem>>
        %dma_start3A_300 = tpu.memref_squeeze %dma_start3A_299 : memref<1x128x128xf32, #tpu.memory_space<vmem>> -> memref<128x128xf32, #tpu.memory_space<vmem>>
        %dma_start3A_301 = arith.constant 0 : i32
        %dma_start3A_302 = tpu.memref_slice %arg7[%add3A_296, %dma_start3A_301] : memref<65536x128xf32, #tpu.memory_space<hbm>> -> memref<128x128xf32, #tpu.memory_space<hbm>>
        %dma_start3A_303 = tpu.memref_slice %arg20[%and3A_260] : memref<4x!tpu.dma_semaphore, #tpu.memory_space<semaphore_mem>> -> memref<1x!tpu.dma_semaphore, #tpu.memory_space<semaphore_mem>>
        %dma_start3A_304 = tpu.memref_squeeze %dma_start3A_303 : memref<1x!tpu.dma_semaphore, #tpu.memory_space<semaphore_mem>> -> memref<!tpu.dma_semaphore, #tpu.memory_space<semaphore_mem>>
        %dma_start3A_305 = arith.constant 0 : i32
        %dma_start3A_306 = tpu.memref_slice %arg7[%add3A_296, %dma_start3A_305] : memref<65536x128xf32, #tpu.memory_space<hbm>> -> memref<128x128xf32, #tpu.memory_space<hbm>>
        %dma_start3A_307 = arith.constant 0 : i32
        %dma_start3A_308 = arith.constant 0 : i32
        %dma_start3A_309 = tpu.memref_slice %arg14[%and3A_260, %dma_start3A_307, %dma_start3A_308] : memref<4x128x128xf32, #tpu.memory_space<vmem>> -> memref<1x128x128xf32, #tpu.memory_space<vmem>>
        %dma_start3A_310 = tpu.memref_squeeze %dma_start3A_309 : memref<1x128x128xf32, #tpu.memory_space<vmem>> -> memref<128x128xf32, #tpu.memory_space<vmem>>
        tpu.enqueue_dma source(%dma_start3A_310 : memref<128x128xf32, #tpu.memory_space<vmem>>) target(%dma_start3A_306 : memref<128x128xf32, #tpu.memory_space<hbm>>) target_semaphore(%dma_start3A_304 : memref<!tpu.dma_semaphore, #tpu.memory_space<semaphore_mem>>)
      } else {
      }
      %ge3A_245 = arith.constant 1 : i32
      %ge3A_246 = arith.cmpi sge, %add3A_242, %ge3A_245 : i32
      %le3A = arith.constant 16 : i32
      %le3A_247 = arith.cmpi sle, %add3A_242, %le3A : i32
      %and3A = arith.andi %ge3A_246, %le3A_247 : i1
      %convert_element_type3A_248 = arith.extui %and3A : i1 to i32
      %cond3A_249 = arith.constant 0 : i32
      %cond3A_250 = arith.cmpi ne, %convert_element_type3A_248, %cond3A_249 : i32
      scf.if %cond3A_250 {
        %sub3A = arith.constant 1 : i32
        %sub3A_258 = arith.subi %add3A_242, %sub3A : i32
        %and3A_259 = arith.constant 3 : i32
        %and3A_260 = arith.andi %sub3A_258, %and3A_259 : i32
        %mul3A_261 = arith.constant 128 : i32
        %mul3A_262 = arith.muli %sub3A_258, %mul3A_261 : i32
        %add3A_263 = arith.addi %mul3A_2, %mul3A_262 : i32
        %dma_wait3A = arith.constant 0 : i32
        %dma_wait3A_264 = arith.constant 0 : i32
        %dma_wait3A_265 = tpu.memref_slice %arg14[%and3A_260, %dma_wait3A, %dma_wait3A_264] : memref<4x128x128xf32, #tpu.memory_space<vmem>> -> memref<1x128x128xf32, #tpu.memory_space<vmem>>
        %dma_wait3A_266 = tpu.memref_squeeze %dma_wait3A_265 : memref<1x128x128xf32, #tpu.memory_space<vmem>> -> memref<128x128xf32, #tpu.memory_space<vmem>>
        %dma_wait3A_267 = arith.constant 0 : i32
        %dma_wait3A_268 = tpu.memref_slice %arg2[%add3A_263, %dma_wait3A_267] : memref<65536x128xf32, #tpu.memory_space<hbm>> -> memref<128x128xf32, #tpu.memory_space<hbm>>
        %dma_wait3A_269 = tpu.memref_slice %arg18[%and3A_260] : memref<4x!tpu.dma_semaphore, #tpu.memory_space<semaphore_mem>> -> memref<1x!tpu.dma_semaphore, #tpu.memory_space<semaphore_mem>>
        %dma_wait3A_270 = tpu.memref_squeeze %dma_wait3A_269 : memref<1x!tpu.dma_semaphore, #tpu.memory_space<semaphore_mem>> -> memref<!tpu.dma_semaphore, #tpu.memory_space<semaphore_mem>>
        %dma_wait3A_271 = arith.constant 0 : i32
        %dma_wait3A_272 = arith.constant 0 : i32
        %dma_wait3A_273 = tpu.memref_slice %arg14[%and3A_260, %dma_wait3A_271, %dma_wait3A_272] : memref<4x128x128xf32, #tpu.memory_space<vmem>> -> memref<1x128x128xf32, #tpu.memory_space<vmem>>
        %dma_wait3A_274 = tpu.memref_squeeze %dma_wait3A_273 : memref<1x128x128xf32, #tpu.memory_space<vmem>> -> memref<128x128xf32, #tpu.memory_space<vmem>>
        %dma_wait3A_275 = arith.constant 0 : i32
        %dma_wait3A_276 = tpu.memref_slice %arg2[%add3A_263, %dma_wait3A_275] : memref<65536x128xf32, #tpu.memory_space<hbm>> -> memref<128x128xf32, #tpu.memory_space<hbm>>
        tpu.wait_dma2 semaphore(%dma_wait3A_270 : memref<!tpu.dma_semaphore, #tpu.memory_space<semaphore_mem>>) src(%dma_wait3A_276 : memref<128x128xf32, #tpu.memory_space<hbm>>) dst(%dma_wait3A_274 : memref<128x128xf32, #tpu.memory_space<vmem>>)
        %mul3A_277 = arith.constant 128 : i32
        %mul3A_278 = arith.muli %sub3A_258, %mul3A_277 : i32
        %dma_start3A_279 = arith.constant 0 : i32
        %dma_start3A_280 = arith.constant 0 : i32
        %dma_start3A_281 = tpu.memref_slice %arg14[%and3A_260, %dma_start3A_279, %dma_start3A_280] : memref<4x128x128xf32, #tpu.memory_space<vmem>> -> memref<1x128x128xf32, #tpu.memory_space<vmem>>
        %dma_start3A_282 = tpu.memref_squeeze %dma_start3A_281 : memref<1x128x128xf32, #tpu.memory_space<vmem>> -> memref<128x128xf32, #tpu.memory_space<vmem>>
        %dma_start3A_283 = tpu.memref_slice %arg10[%mul3A_278] : memref<2048xi32, #tpu.memory_space<vmem>> -> memref<128xi32, #tpu.memory_space<vmem>>
        %dma_start3A_284 = arith.constant 0 : i32
        %dma_start3A_285 = arith.constant 0 : i32
        %dma_start3A_286 = tpu.memref_slice %arg15[%dma_start3A_284, %dma_start3A_285] : memref<512x128xf32, #tpu.memory_space<vmem_shared>> -> memref<512x128xf32, #tpu.memory_space<vmem_shared>>
        %dma_start3A_287 = tpu.memref_slice %arg19[%and3A_260] : memref<4x!tpu.dma_semaphore, #tpu.memory_space<semaphore_mem>> -> memref<1x!tpu.dma_semaphore, #tpu.memory_space<semaphore_mem>>
        %dma_start3A_288 = tpu.memref_squeeze %dma_start3A_287 : memref<1x!tpu.dma_semaphore, #tpu.memory_space<semaphore_mem>> -> memref<!tpu.dma_semaphore, #tpu.memory_space<semaphore_mem>>
        tpu.enqueue_indirect_dma source(%dma_start3A_286 : memref<512x128xf32, #tpu.memory_space<vmem_shared>>) target(%dma_start3A_282 : memref<128x128xf32, #tpu.memory_space<vmem>>) offsets(%dma_start3A_283 : memref<128xi32, #tpu.memory_space<vmem>>) semaphore(%dma_start3A_288 : memref<!tpu.dma_semaphore, #tpu.memory_space<semaphore_mem>>) {add = true}
        %mul3A_289 = arith.constant 128 : i32
        %mul3A_290 = arith.muli %sub3A_258, %mul3A_289 : i32
        %dma_start3A_291 = arith.constant 0 : i32
        %dma_start3A_292 = arith.constant 0 : i32
        %dma_start3A_293 = tpu.memref_slice %arg14[%and3A_260, %dma_start3A_291, %dma_start3A_292] : memref<4x128x128xf32, #tpu.memory_space<vmem>> -> memref<1x128x128xf32, #tpu.memory_space<vmem>>
        %dma_start3A_294 = tpu.memref_squeeze %dma_start3A_293 : memref<1x128x128xf32, #tpu.memory_space<vmem>> -> memref<128x128xf32, #tpu.memory_space<vmem>>
        %dma_start3A_295 = tpu.memref_slice %arg11[%mul3A_290] : memref<2048xi32, #tpu.memory_space<vmem>> -> memref<128xi32, #tpu.memory_space<vmem>>
        %dma_start3A_296 = arith.constant 0 : i32
        %dma_start3A_297 = arith.constant 0 : i32
        %dma_start3A_298 = tpu.memref_slice %arg16[%dma_start3A_296, %dma_start3A_297] : memref<512x128xf32, #tpu.memory_space<vmem_shared>> -> memref<512x128xf32, #tpu.memory_space<vmem_shared>>
        %dma_start3A_299 = tpu.memref_slice %arg19[%and3A_260] : memref<4x!tpu.dma_semaphore, #tpu.memory_space<semaphore_mem>> -> memref<1x!tpu.dma_semaphore, #tpu.memory_space<semaphore_mem>>
        %dma_start3A_300 = tpu.memref_squeeze %dma_start3A_299 : memref<1x!tpu.dma_semaphore, #tpu.memory_space<semaphore_mem>> -> memref<!tpu.dma_semaphore, #tpu.memory_space<semaphore_mem>>
        tpu.enqueue_indirect_dma source(%dma_start3A_298 : memref<512x128xf32, #tpu.memory_space<vmem_shared>>) target(%dma_start3A_294 : memref<128x128xf32, #tpu.memory_space<vmem>>) offsets(%dma_start3A_295 : memref<128xi32, #tpu.memory_space<vmem>>) semaphore(%dma_start3A_300 : memref<!tpu.dma_semaphore, #tpu.memory_space<semaphore_mem>>) {add = true}
      } else {
      }
      %ge3A_251 = arith.constant 2 : i32
      %ge3A_252 = arith.cmpi sge, %add3A_242, %ge3A_251 : i32
      %lt3A = arith.constant 16 : i32
      %lt3A_253 = arith.cmpi slt, %add3A_242, %lt3A : i32
      %and3A_254 = arith.andi %ge3A_252, %lt3A_253 : i1
      %convert_element_type3A_255 = arith.extui %and3A_254 : i1 to i32
      %cond3A_256 = arith.constant 0 : i32
      %cond3A_257 = arith.cmpi ne, %convert_element_type3A_255, %cond3A_256 : i32
      scf.if %cond3A_257 {
        %and3A_258 = arith.constant 3 : i32
        %and3A_259 = arith.andi %add3A_242, %and3A_258 : i32
        %ge3A_260 = arith.constant 4 : i32
        %ge3A_261 = arith.cmpi sge, %add3A_242, %ge3A_260 : i32
        %convert_element_type3A_262 = arith.extui %ge3A_261 : i1 to i32
        %cond3A_263 = arith.constant 0 : i32
        %cond3A_264 = arith.cmpi ne, %convert_element_type3A_262, %cond3A_263 : i32
        scf.if %cond3A_264 {
          %sub3A = arith.constant 4 : i32
          %sub3A_282 = arith.subi %add3A_242, %sub3A : i32
          %mul3A_283 = arith.constant 128 : i32
          %mul3A_284 = arith.muli %sub3A_282, %mul3A_283 : i32
          %add3A_285 = arith.addi %mul3A_2, %mul3A_284 : i32
          %dma_wait3A = arith.constant 0 : i32
          %dma_wait3A_286 = arith.constant 0 : i32
          %dma_wait3A_287 = tpu.memref_slice %arg14[%and3A_259, %dma_wait3A, %dma_wait3A_286] : memref<4x128x128xf32, #tpu.memory_space<vmem>> -> memref<1x128x128xf32, #tpu.memory_space<vmem>>
          %dma_wait3A_288 = tpu.memref_squeeze %dma_wait3A_287 : memref<1x128x128xf32, #tpu.memory_space<vmem>> -> memref<128x128xf32, #tpu.memory_space<vmem>>
          %dma_wait3A_289 = arith.constant 0 : i32
          %dma_wait3A_290 = tpu.memref_slice %arg7[%add3A_285, %dma_wait3A_289] : memref<65536x128xf32, #tpu.memory_space<hbm>> -> memref<128x128xf32, #tpu.memory_space<hbm>>
          %dma_wait3A_291 = tpu.memref_slice %arg20[%and3A_259] : memref<4x!tpu.dma_semaphore, #tpu.memory_space<semaphore_mem>> -> memref<1x!tpu.dma_semaphore, #tpu.memory_space<semaphore_mem>>
          %dma_wait3A_292 = tpu.memref_squeeze %dma_wait3A_291 : memref<1x!tpu.dma_semaphore, #tpu.memory_space<semaphore_mem>> -> memref<!tpu.dma_semaphore, #tpu.memory_space<semaphore_mem>>
          %dma_wait3A_293 = arith.constant 0 : i32
          %dma_wait3A_294 = tpu.memref_slice %arg7[%add3A_285, %dma_wait3A_293] : memref<65536x128xf32, #tpu.memory_space<hbm>> -> memref<128x128xf32, #tpu.memory_space<hbm>>
          %dma_wait3A_295 = arith.constant 0 : i32
          %dma_wait3A_296 = arith.constant 0 : i32
          %dma_wait3A_297 = tpu.memref_slice %arg14[%and3A_259, %dma_wait3A_295, %dma_wait3A_296] : memref<4x128x128xf32, #tpu.memory_space<vmem>> -> memref<1x128x128xf32, #tpu.memory_space<vmem>>
          %dma_wait3A_298 = tpu.memref_squeeze %dma_wait3A_297 : memref<1x128x128xf32, #tpu.memory_space<vmem>> -> memref<128x128xf32, #tpu.memory_space<vmem>>
          tpu.wait_dma2 semaphore(%dma_wait3A_292 : memref<!tpu.dma_semaphore, #tpu.memory_space<semaphore_mem>>) src(%dma_wait3A_298 : memref<128x128xf32, #tpu.memory_space<vmem>>) dst(%dma_wait3A_294 : memref<128x128xf32, #tpu.memory_space<hbm>>)
        } else {
        }
        %mul3A_265 = arith.constant 128 : i32
        %mul3A_266 = arith.muli %add3A_242, %mul3A_265 : i32
        %add3A_267 = arith.addi %mul3A_2, %mul3A_266 : i32
        %dma_start3A_268 = arith.constant 0 : i32
        %dma_start3A_269 = arith.constant 0 : i32
        %dma_start3A_270 = tpu.memref_slice %arg14[%and3A_259, %dma_start3A_268, %dma_start3A_269] : memref<4x128x128xf32, #tpu.memory_space<vmem>> -> memref<1x128x128xf32, #tpu.memory_space<vmem>>
        %dma_start3A_271 = tpu.memref_squeeze %dma_start3A_270 : memref<1x128x128xf32, #tpu.memory_space<vmem>> -> memref<128x128xf32, #tpu.memory_space<vmem>>
        %dma_start3A_272 = arith.constant 0 : i32
        %dma_start3A_273 = tpu.memref_slice %arg2[%add3A_267, %dma_start3A_272] : memref<65536x128xf32, #tpu.memory_space<hbm>> -> memref<128x128xf32, #tpu.memory_space<hbm>>
        %dma_start3A_274 = tpu.memref_slice %arg18[%and3A_259] : memref<4x!tpu.dma_semaphore, #tpu.memory_space<semaphore_mem>> -> memref<1x!tpu.dma_semaphore, #tpu.memory_space<semaphore_mem>>
        %dma_start3A_275 = tpu.memref_squeeze %dma_start3A_274 : memref<1x!tpu.dma_semaphore, #tpu.memory_space<semaphore_mem>> -> memref<!tpu.dma_semaphore, #tpu.memory_space<semaphore_mem>>
        %dma_start3A_276 = arith.constant 0 : i32
        %dma_start3A_277 = arith.constant 0 : i32
        %dma_start3A_278 = tpu.memref_slice %arg14[%and3A_259, %dma_start3A_276, %dma_start3A_277] : memref<4x128x128xf32, #tpu.memory_space<vmem>> -> memref<1x128x128xf32, #tpu.memory_space<vmem>>
        %dma_start3A_279 = tpu.memref_squeeze %dma_start3A_278 : memref<1x128x128xf32, #tpu.memory_space<vmem>> -> memref<128x128xf32, #tpu.memory_space<vmem>>
        %dma_start3A_280 = arith.constant 0 : i32
        %dma_start3A_281 = tpu.memref_slice %arg2[%add3A_267, %dma_start3A_280] : memref<65536x128xf32, #tpu.memory_space<hbm>> -> memref<128x128xf32, #tpu.memory_space<hbm>>
        tpu.enqueue_dma source(%dma_start3A_281 : memref<128x128xf32, #tpu.memory_space<hbm>>) target(%dma_start3A_279 : memref<128x128xf32, #tpu.memory_space<vmem>>) target_semaphore(%dma_start3A_275 : memref<!tpu.dma_semaphore, #tpu.memory_space<semaphore_mem>>)
      } else {
      }
    }
    %scan3A_232 = arith.constant 18 : i32
    %scan3A_233 = arith.constant 0 : i32
    %scan3A_234 = arith.constant 4 : i32
    %scan3A_235 = arith.addi %scan3A_233, %scan3A_234 : i32
    %scan3A_236 = arith.constant 1 : i32
    scf.for %scan3A_238 = %scan3A_233 to %scan3A_235 step %scan3A_236  : i32 {
      %mul3A_239 = arith.constant 1 : i32
      %mul3A_240 = arith.muli %scan3A_238, %mul3A_239 : i32
      %add3A_241 = arith.constant 16 : i32
      %add3A_242 = arith.addi %add3A_241, %mul3A_240 : i32
      %and3A = arith.constant 3 : i32
      %and3A_243 = arith.andi %add3A_242, %and3A : i32
      %sub3A = arith.constant 4 : i32
      %sub3A_244 = arith.subi %add3A_242, %sub3A : i32
      %mul3A_245 = arith.constant 128 : i32
      %mul3A_246 = arith.muli %sub3A_244, %mul3A_245 : i32
      %add3A_247 = arith.addi %mul3A_2, %mul3A_246 : i32
      %dma_wait3A = arith.constant 0 : i32
      %dma_wait3A_248 = arith.constant 0 : i32
      %dma_wait3A_249 = tpu.memref_slice %arg14[%and3A_243, %dma_wait3A, %dma_wait3A_248] : memref<4x128x128xf32, #tpu.memory_space<vmem>> -> memref<1x128x128xf32, #tpu.memory_space<vmem>>
      %dma_wait3A_250 = tpu.memref_squeeze %dma_wait3A_249 : memref<1x128x128xf32, #tpu.memory_space<vmem>> -> memref<128x128xf32, #tpu.memory_space<vmem>>
      %dma_wait3A_251 = arith.constant 0 : i32
      %dma_wait3A_252 = tpu.memref_slice %arg7[%add3A_247, %dma_wait3A_251] : memref<65536x128xf32, #tpu.memory_space<hbm>> -> memref<128x128xf32, #tpu.memory_space<hbm>>
      %dma_wait3A_253 = tpu.memref_slice %arg20[%and3A_243] : memref<4x!tpu.dma_semaphore, #tpu.memory_space<semaphore_mem>> -> memref<1x!tpu.dma_semaphore, #tpu.memory_space<semaphore_mem>>
      %dma_wait3A_254 = tpu.memref_squeeze %dma_wait3A_253 : memref<1x!tpu.dma_semaphore, #tpu.memory_space<semaphore_mem>> -> memref<!tpu.dma_semaphore, #tpu.memory_space<semaphore_mem>>
      %dma_wait3A_255 = arith.constant 0 : i32
      %dma_wait3A_256 = tpu.memref_slice %arg7[%add3A_247, %dma_wait3A_255] : memref<65536x128xf32, #tpu.memory_space<hbm>> -> memref<128x128xf32, #tpu.memory_space<hbm>>
      %dma_wait3A_257 = arith.constant 0 : i32
      %dma_wait3A_258 = arith.constant 0 : i32
      %dma_wait3A_259 = tpu.memref_slice %arg14[%and3A_243, %dma_wait3A_257, %dma_wait3A_258] : memref<4x128x128xf32, #tpu.memory_space<vmem>> -> memref<1x128x128xf32, #tpu.memory_space<vmem>>
      %dma_wait3A_260 = tpu.memref_squeeze %dma_wait3A_259 : memref<1x128x128xf32, #tpu.memory_space<vmem>> -> memref<128x128xf32, #tpu.memory_space<vmem>>
      tpu.wait_dma2 semaphore(%dma_wait3A_254 : memref<!tpu.dma_semaphore, #tpu.memory_space<semaphore_mem>>) src(%dma_wait3A_260 : memref<128x128xf32, #tpu.memory_space<vmem>>) dst(%dma_wait3A_256 : memref<128x128xf32, #tpu.memory_space<hbm>>)
    }
    %scan3A_237 = arith.constant 4 : i32
    return
  }
}

</mosaic_0001>

<sc_bundles>
// kernel: kernel.3.cloned.1.call-start
scs
__scs_entry_jumppad:
0x0: {  	(pc) =	sbr.rel $0x88, $3  }
0x1: {  	(tag) =	ssettag $0x0;
	lr =	simm.s32 $0x1  }
0x2: {  	[smem:$0x3F9D] =	sst lr;
	_ =	strace $0xD0000000  }
0x3: {  	_ = 	snop  }
0x4: {  	_ = 	snop  }
0x5: {  	_ = 	snop  }
0x6: {  	_ = 	snop  }
0x7: {  	_ = 	snop  }
__scs_overlays_trampoline_lowered:
0x8: {  	[smem:$0x3FAC] =	sst s0  }
0x9: {  	[smem:$0x3FAD] =	sst s1  }
0xa: {  	[smem:$0x3FAE] =	sst s2  }
0xb: {  	[smem:$0x3FAF] =	sst s3  }
0xc: {  	[smem:$0x3FB0] =	sst s4  }
0xd: {  	[smem:$0x3FB1] =	sst s5  }
0xe: {  	[smem:$0x3FB2] =	sst s6  }
0xf: {  	[smem:$0x3FB3] =	sst s7  }
0x10: {  	[smem:$0x3FB4] =	sst s8  }
0x11: {  	[smem:$0x3FB5] =	sst s9;
	s0 =	simm.s32 @!p0 $0x0  }
0x12: {  	s1 =	sld [smem:$0x3F9B];
	s0 =	simm.s32 @p0 $0x1  }
0x13: {  	[smem:$0x3FB6] =	sst s0;
	s0 =	simm.s32 @!p1 $0x0  }
0x14: {  	s2 =	sld [smem:$0x3F9A];
	s0 =	simm.s32 @p1 $0x1  }
0x15: {  	[smem:$0x3FB7] =	sst s0;
	s0 =	simm.s32 @!p2 $0x0  }
0x16: {  	s3 =	sld [smem:$0x3FDB];
	s0 =	simm.s32 @p2 $0x1  }
0x17: {  	s4 =	simm.s32 $0x1BF5;
	[smem:$0x3FB9] =	sst s0  }
0x18: {  	s0 =	sld [smem:$0x3F9C];
	_ =	swait.ge [sflag:s4], $0x0  }
0x19: {  	s7 =	sld [smem:$0x3F9D]  }
0x1a: {  	s8 =	sadd.s32 $0xFFFFE003, lr  }
0x1b: {  	s9 =	sadd.s32 $0xFFFFFEF7, lr;
	s5 =	simm.s32 $0xFFFFFFFF;
	p2 =	slt.u32 s8, $0xFFFFF086  }
0x1c: {  	p1 =	slt.u32 s9, $0xF7A;
	s5 =	simm.s32 @!p2 $0x0  }
0x1d: {  	s5 =	simm.s32 @p1 $0x1;
	p0 =	seq.s32 s7, s2  }
0x1e: {  	s7 =	smul.u32 @!p0 $0xF7A, s2;
	p2 =	seq.s32 @!p0 s5, $0x0  }
0x1f: {  	s9 =	smul.u32 $0xF7A, s1;
	s8 =	simm.s32 @!p0 $0x1BF5;
	p2 =	por !p2, p0  }
0x20: {  	[sflag:s8] =	ssyncset.s32 @!p0 $0xFFFFF086;
	s6 =	sadd.s32 @!p0 s3, s7;
	s7 =	simm.s32 @!p0 $0x108  }
0x21: {  	s3 =	sadd.s32 s3, s9;
	s6 =	sadd.s32 @!p0 $0x88, s6;
	s7 =	simm.s32 @p2 $0x1082  }
0x22: {  	[simem:s7], [sflag:s8] =	dma.local @!p0 [hbm:s6], $0xF7A  }
0x23: {  	s9 =	sor.u32 $0xD0000000, s2;
	s6 =	simm.s32 $0x108;
	_ =	swait.ge @!p0 [sflag:s8], $0x0  }
0x24: {  	s3 =	sadd.s32 $0x88, s3;
	s6 =	simm.s32 @!p1 $0x1082;
	[sflag:s4] =	ssyncset.s32 $0xFFFFF086  }
0x25: {  	[simem:s6], [sflag:s4] =	dma.local [hbm:s3], $0xF7A  }
0x26: {  	[smem:$0x3F9D] =	sst s1;
	(tag) =	ssettag s2;
	_ =	strace s9  }
0x27: {  	s1 =	sld [smem:$0x3FAD]  }
0x28: {  	s2 =	sld [smem:$0x3FAE]  }
0x29: {  	s4 =	sld [smem:$0x3FB0]  }
0x2a: {  	p0 =	seq.s32 s5, $0x0;
	s5 =	sld [smem:$0x3FB1]  }
0x2b: {  	s6 =	sld [smem:$0x3FB2]  }
0x2c: {  	s7 =	sld [smem:$0x3FB3]  }
0x2d: {  	s3 =	simm.s32 $0x108;
	s8 =	sld [smem:$0x3FB4]  }
0x2e: {  	s3 =	simm.s32 @!p0 $0x1082;
	s9 =	sld [smem:$0x3FB5]  }
0x2f: {  	lr =	sadd.s32 s0, s3;
	s0 =	sld [smem:$0x3FAC]  }
0x30: {  	s3 =	sld [smem:$0x3FAF]  }
0x31: {  	[smem:$0x3FB8] =	sst s10  }
0x32: {  	s10 =	sld [smem:$0x3FB6];
	_ =	sdelay $0x3  }
0x33: {  	p0 =	seq.s32 s10, $0x1;
	s10 =	sld [smem:$0x3FB8];
	_ =	sdelay $0x3  }
0x34: {  	[smem:$0x3FB8] =	sst s10  }
0x35: {  	s10 =	sld [smem:$0x3FB7];
	_ =	sdelay $0x3  }
0x36: {  	p1 =	seq.s32 s10, $0x1;
	s10 =	sld [smem:$0x3FB8];
	_ =	sdelay $0x3  }
0x37: {  	[smem:$0x3FB8] =	sst s10  }
0x38: {  	s10 =	sld [smem:$0x3FB9]  }
0x39: {  	_ = 	snop;
	(pc) =	sbr.ind lr, $3  }
0x3a: {  	_ = 	snop  }
0x3b: {  	_ = 	snop  }
0x3c: {  	p2 =	seq.s32 s10, $0x1;
	s10 =	sld [smem:$0x3FB8]  }
0x3d: {  	_ =	shalt  }
0x3e: {  	_ =	shalt  }
0x3f: {  	_ =	shalt  }
0x40: {  	_ =	shalt  }
0x41: {  	_ =	shalt  }
0x42: {  	_ =	shalt  }
0x43: {  	_ =	shalt  }
0x44: {  	_ =	shalt  }
0x45: {  	_ =	shalt  }
0x46: {  	_ =	shalt  }
0x47: {  	_ =	shalt  }
0x48: {  	_ =	shalt  }
0x49: {  	_ =	shalt  }
0x4a: {  	_ =	shalt  }
0x4b: {  	_ =	shalt  }
0x4c: {  	_ =	shalt  }
0x4d: {  	_ =	shalt  }
0x4e: {  	_ =	shalt  }
0x4f: {  	_ =	shalt  }
0x50: {  	_ =	shalt  }
0x51: {  	_ =	shalt  }
0x52: {  	_ =	shalt  }
0x53: {  	_ =	shalt  }
0x54: {  	_ =	shalt  }
0x55: {  	_ =	shalt  }
0x56: {  	_ =	shalt  }
0x57: {  	_ =	shalt  }
0x58: {  	_ =	shalt  }
0x59: {  	_ =	shalt  }
0x5a: {  	_ =	shalt  }
0x5b: {  	_ =	shalt  }
0x5c: {  	_ =	shalt  }
0x5d: {  	_ =	shalt  }
0x5e: {  	_ =	shalt  }
0x5f: {  	_ =	shalt  }
0x60: {  	_ =	shalt  }
0x61: {  	_ =	shalt  }
0x62: {  	_ =	shalt  }
0x63: {  	_ =	shalt  }
0x64: {  	_ =	shalt  }
0x65: {  	_ =	shalt  }
0x66: {  	_ =	shalt  }
0x67: {  	_ =	shalt  }
0x68: {  	_ =	shalt  }
0x69: {  	_ =	shalt  }
0x6a: {  	_ =	shalt  }
0x6b: {  	_ =	shalt  }
0x6c: {  	_ =	shalt  }
0x6d: {  	_ =	shalt  }
0x6e: {  	_ =	shalt  }
0x6f: {  	_ =	shalt  }
0x70: {  	_ =	shalt  }
0x71: {  	_ =	shalt  }
0x72: {  	_ =	shalt  }
0x73: {  	_ =	shalt  }
0x74: {  	_ =	shalt  }
0x75: {  	_ =	shalt  }
0x76: {  	_ =	shalt  }
0x77: {  	_ =	shalt  }
0x78: {  	_ =	shalt  }
0x79: {  	_ =	shalt  }
0x7a: {  	_ =	shalt  }
0x7b: {  	_ =	shalt  }
0x7c: {  	_ =	shalt  }
0x7d: {  	_ =	shalt  }
0x7e: {  	_ =	shalt  }
0x7f: {  	_ =	shalt  }
0x80: {  	_ =	shalt  }
0x81: {  	_ =	shalt  }
0x82: {  	_ =	shalt  }
0x83: {  	_ =	shalt  }
0x84: {  	_ =	shalt  }
0x85: {  	_ =	shalt  }
0x86: {  	_ =	shalt  }
0x87: {  	_ =	shalt  }
.Lfunc_end0:
.L_simem_size_0:
called_computation_lowered:
.L_overlay_start_0:
0x88: {  	s2 =	sld [smem:$0x3FD9]  }
0x89: {  	s3 =	sld [smem:$0x3FFE];
	_ =	sdelay $0x1  }
0x8a: {  	s1 =	srdreg.scid  }
0x8b: {  	s0 =	sand.u32 $0x1, s1  }
0x8c: {  	s17 =	sshll.u32 s0, $0xA;
	s2 =	sadd.s32 s3, s2  }
0x8d: {  	s2 =	sadd.s32 s2, s17  }
0x8e: {  	[smem:$0x3FC4] =	sst s2  }
0x8f: {  	_ = 	snop  }
0x90: {  	s2 =	sld [smem:$0x3FC9]  }
0x91: {  	s18 =	sld [smem:$0x3FD0];
	(tm) =	ssettm $0x1  }
0x92: {  	s4 =	sld [smem:$0x3FFB];
	_ =	sdelay $0x3  }
0x93: {  	_ =	strace s4  }
0x94: {  	s4 =	sld [smem:$0x3FFC];
	_ =	sdelay $0x3  }
0x95: {  	_ =	strace s4  }
0x96: {  	s4 =	sld [smem:$0x3FFD];
	_ =	sdelay $0x3  }
0x97: {  	_ =	strace s4  }
0x98: {  	_ =	strace $0x8FFFFFFF  }
0x99: {  	s19 =	sld [smem:$0x3FDB];
	_ =	sdelay $0x1  }
0x9a: {  	s5 =	simm.s32 $_scs_section_size  }
0x9b: {  	s6 =	simm.s32 $_size__tile_overlayer_lowered;
	s7 =	simm.s32 $_tile_overlayer_lowered  }
0x9c: {  	s22 =	simm.s32 $0x1BFF;
	s21 =	sshll.u32 s7, $0x1;
	s4 =	sadd.s32 s5, s19  }
0x9d: {  	s8 =	simm.s32 $0x0;
	s20 =	sshll.u32 s6, $0x1;
	s6 =	sadd.s32 s21, s4  }
0x9e: {  	[timem:s8], [sflag:s22] =	dma.local [hbm:s6], s20  }
0x9f: {  	_ =	swait.ge [sflag:s22], s20  }
0xa0: {  	s5 =	ssub.s32 $0x0, s20;
	[sflag:s22] =	ssyncset.done $0x0  }
0xa1: {  	[sflag:s22] =	ssyncadd.s32 s5;
	_ =	sdelay $0x1  }
0xa2: {  	s23 =	simm.s32 $0x1B8B  }
0xa3: {  	_ =	swait.ge [sflag:s23], $0x1  }
0xa4: {  	[sflag:s23] =	ssyncset.done $0x0  }
0xa5: {  	s25 =	simm.s32 $0x1B8E;
	s24 =	sld [smem:$0x3FFE];
	[sflag:s23] =	ssyncadd.s32 $0xFFFFFFFF  }
0xa6: {  	s26 =	simm.s32 $execute0_lowered;
	[smem:$0x3FD2] =	sst s25  }
0xa7: {  	s6 =	sshll.u32 s26, $0x1;
	_ =	strace $0x80000046;
	[dreg:$0x1] =	wrdreg $0xFFFFFFFF  }
0xa8: {  	s28 =	simm.s32 $_size_execute0_lowered;
	s4 =	sadd.s32 s4, s6;
	[dreg:$0x0] =	wrdreg $0x0  }
0xa9: {  	s6 =	sshll.u32 s28, $0x1;
	[dreg:$0x2] =	wrdreg s4  }
0xaa: {  	[dreg:$0x3] =	wrdreg s6  }
0xab: {  	[dreg:$0x4] =	wrdreg $0xC0  }
0xac: {  	_ =	task [dreg:s8], $0x5FFFF  }
0xad: {  	[dreg:$0x1] =	wrdreg $0xFFFFFFFF  }
0xae: {  	[dreg:$0x0] =	wrdreg $0x60  }
0xaf: {  	[dreg:$0x2] =	wrdreg s2  }
0xb0: {  	[dreg:$0x3] =	wrdreg s24  }
0xb1: {  	[dreg:$0x4] =	wrdreg s18  }
0xb2: {  	[dreg:$0x5] =	wrdreg $0x132800  }
0xb3: {  	[dreg:$0x6] =	wrdreg $0x142800  }
0xb4: {  	[dreg:$0x7] =	wrdreg $0x152800  }
0xb5: {  	[dreg:$0x8] =	wrdreg $0x9  }
0xb6: {  	_ =	task.clear_ibuf [dreg:s8], $0x9FFFF;
	_ =	strace $0x90000046  }
0xb7: {  	s29 =	simm.s32 $0x9;
	_ =	strace $0x80000048  }
0xb8: {  	_ =	swait.ge [sflag:s29], $0x1  }
0xb9: {  	[sflag:s29] =	ssyncadd.s32 $0xFFFFFFFF  }
0xba: {  	_ =	strace $0x90000048  }
0xbb: {  	_ =	sfence  }
0xbc: {  	s30 =	sld [smem:$0x0];
	_ =	sdelay $0x2  }
0xbd: {  	s31 =	sshll.u32 s1, $0xD;
	s1 =	sshrl.u32 s1, $0x2  }
0xbe: {  	s3 =	sand.u32 $0x4000, s31;
	s1 =	sadd.s32 s1, s30  }
0xbf: {  	s0 =	sor.u32 s3, s0;
	s1 =	sshll.u32 s1, $0x11  }
0xc0: {  	s0 =	sor.u32 s1, s0  }
0xc1: {  	s0 =	sadd.s32 $0x8F2B, s0  }
0xc2: {  	[sflag:s0] =	ssyncadd.remote.s32 $0x1  }
0xc3: {  	_ =	sfence.sel $0xFFFF  }
0xc4: {  	[dreg:$0x0] =	wrdreg $0xFFFFFFFF;
	(pc) =	sbr.abs _section_cstart, $3  }
0xc5: {  	[dreg:$0x1] =	wrdreg $0xFFFFFFFF  }
0xc6: {  	_ =	task.clear_ibuf [dreg:s8], $0x2FFFF;
	_ =	strace $0x9FFFFFFF  }
0xc7: {  	(tm) =	ssettm $0x7FFFFFFF  }
tec
execute0_lowered:
.L_overlay_start_1:
0x0: {  	(tag) =	ssettag $0x1  }
0x1: {  	s0 =	rddreg [dreg:$0x0]  }
0x2: {  	s4 =	rddreg [dreg:$0x1]  }
0x3: {  	s1 =	rddreg [dreg:$0x2]  }
0x4: {  	s2 =	rddreg [dreg:$0x3]  }
0x5: {  	s3 =	rddreg [dreg:$0x4]  }
0x6: {  	s15 =	rddreg [dreg:$0x5];
	s5 =	srdreg.scid  }
0x7: {  	s6 =	simm.s32 $0x0;
	s13 =	stileid.u32;
	s29 =	simm.s32 $0x9  }
0x8: {  	s30 =	simm.s32 $0xA;
	s31 =	simm.s32 $0xB;
	s5 =	sand.u32 $0x1, s5  }
0x9: {  	[smem:$0x7FF] =	sst s6;
	s8 =	sshll.u32 s13, $0xC;
	s10 =	sshll.u32 s13, $0x9  }
0xa: {  	s18 =	sshll.u32 s13, $0x6;
	s14 =	sshll.u32 s13, $0x5;
	s24 =	sshll.u32 s13, $0x13  }
0xb: {  	s26 =	sshll.u32 s13, $0x10;
	s9 =	sshll.u32 s5, $0xB;
	_ =	strace $0x80000047  }
0xc: {  	v0 =	vimm.s32 $0xEFCDAB89;
	s11 =	ssub.s32 $0x2, s5;
	s4 =	sadd.s32 s10, s4;
	s12 =	sadd.s32 s8, s2  }
0xd: {  	v1 =	vimm.s32 $0x67452301;
	v2 =	vimm.s32 $0xDCFE98BA;
	s10 =	sor.u32 $0x1C0D, s18;
	s22 =	sadd.s32 s14, s15;
	s25 =	sshll.u32 s5, $0x12  }
0xe: {  	v3 =	vimm.s32 $0x54761032;
	v4 =	vimm.s32 $0xBA98FEDC;
	s5 =	sshll.u32 s5, $0xF;
	s7 =	sor.u32 s9, s8;
	s17 =	sshrl.u32 s11, $0x1  }
0xf: {  	v5 =	vimm.s32 $0x32107654;
	v6 =	vimm.s32 $0xFEDCBA98;
	s19 =	sadd.s32 $0x600, s4;
	s8 =	sadd.s32 s8, s3;
	[dreg:$0xd] =	wrdreg s22  }
0x10: {  	v7 =	vimm.s32 $0x76543210;
	v0 =	vunpack.c.l.s4.s8 v0;
	v1 =	vunpack.c.l.s4.s8 v1;
	s20 =	sadd.s32 $0x2600, s4;
	s21 =	sadd.s32 $0x6600, s4;
	[dreg:$0x9] =	wrdreg s19  }
0x11: {  	v2 =	vunpack.c.l.s4.s8 v2;
	v3 =	vunpack.c.l.s4.s8 v3;
	v4 =	vunpack.c.l.s4.s8 v4;
	s4 =	sadd.s32 $0x4600, s4;
	s16 =	sor.u32 $0x40, s9;
	[dreg:$0xa] =	wrdreg s20  }
0x12: {  	v5 =	vunpack.c.l.s4.s8 v5;
	v6 =	vunpack.c.l.s4.s8 v6;
	v7 =	vunpack.c.l.s4.s8 v7;
	s28 =	sshrl.u32 s12, $0x3;
	s7 =	sshll.u32 s7, $0x4;
	[dreg:$0xb] =	wrdreg s21  }
0x13: {  	v0 =	vunpack.c.0.s8.s32 v0;
	v1 =	vunpack.c.0.s8.s32 v1;
	v2 =	vunpack.c.0.s8.s32 v2;
	s11 =	ssub.s32 s11, s17;
	[dreg:$0xc] =	wrdreg s4;
	s17 =	sor.u32 $0x1040, s9  }
0x14: {  	v3 =	vunpack.c.0.s8.s32 v3;
	v4 =	vunpack.c.0.s8.s32 v4;
	v5 =	vunpack.c.0.s8.s32 v5;
	s4 =	sor.u32 s25, s24;
	[dreg:$0xf] =	wrdreg s28;
	s24 =	sshrl.u32 s8, $0x3  }
0x15: {  	s7 =	sadd.s32 s0, s7;
	s23 =	smax.u32 s11, $0x1;
	s0 =	sadd.s32 s26, s0;
	v0 =	vcombine.low v1, v0;
	v1 =	vunpack.c.0.s8.s32 v6  }
0x16: {  	s18 =	sadd.s32 $0xFFFF8000, s4;
	v2 =	vcombine.low v3, v2;
	v3 =	vcombine.low v5, v4;
	v4 =	vunpack.c.0.s8.s32 v7;
	s4 =	simm.s32 $0x0;
	[dreg:$0x7] =	wrdreg s7  }
0x17: {  	s7 =	sadd.s32 $0x800, s7;
	[dreg:$0xe] =	wrdreg s23;
	s19 =	sadd.s32 s5, s0;
	v0 =	vand.u32 $0xF, v0;
	v5 =	vand.u32 $0xF, v1  }
0x18: {  	s23 =	simm.s32 $0xD;
	s0 =	simm.s32 $0xC;
	[dreg:$0x8] =	wrdreg s7;
	v1 =	vand.u32 $0xF, v2;
	v2 =	vand.u32 $0xF, v3;
	v3 =	vcombine.low v5, v4  }
.LBB2_1:
0x19: {  	s5 =	rddreg [dreg:$0x7]  }
0x1a: {  	s14 =	rddreg [dreg:$0x8]  }
0x1b: {  	s7 =	simm.s32 $0x3280;
	s20 =	rddreg [dreg:$0x9]  }
0x1c: {  	[tilespmem:s7], [sflag:$0x1] =	stream.linear.gather [hbm4b:s5+s6], $0x4000, $0x38;
	[tilespmem:$0x152A0] =	vst v63  }
0x1d: {  	s15 =	simm.s32 $0x7280;
	s21 =	rddreg [dreg:$0xf]  }
0x1e: {  	[tilespmem:s15], [sflag:$0x2] =	stream.linear.gather [hbm4b:s14+s6], $0x4000, $0x38;
	[tilespmem:$0x152A0] =	vst v63  }
0x1f: {  	[spmem:s21], [sflag:s10] =	dma.local [hbm:s20], $0x200  }
0x20: {  	_ =	swait.ge [sflag:s23], $0x200  }
0x21: {  	[sflag:s23] =	ssyncset.done $0x0  }
0x22: {  	s22 =	rddreg [dreg:$0xa];
	[sflag:s23] =	ssyncadd.s32 $0xFFFFFE00  }
0x23: {  	[spmem:s24], [sflag:s10] =	dma.local [hbm:s22], $0x200  }
0x24: {  	_ =	swait.ge [sflag:s23], $0x200  }
0x25: {  	[sflag:s23] =	ssyncset.done $0x0  }
0x26: {  	s25 =	rddreg [dreg:$0xb];
	[sflag:s23] =	ssyncadd.s32 $0xFFFFFE00  }
0x27: {  	[tilespmem:s6], [sflag:$0xD] =	stream.linear.gather [hbm4b:s25+s6], $0x1000, $0x38;
	[tilespmem:$0x152A0] =	vst v63  }
0x28: {  	_ =	swait.ge [sflag:s23], $0x1000  }
0x29: {  	[sflag:s23] =	ssyncset.done $0x0  }
0x2a: {  	s28 =	simm.s32 $0x1000;
	s26 =	rddreg [dreg:$0xc];
	[sflag:s23] =	ssyncadd.s32 $0xFFFFF000  }
0x2b: {  	[tilespmem:s28], [sflag:$0xD] =	stream.linear.gather [hbm4b:s26+s6], $0x1000, $0x38;
	[tilespmem:$0x152A0] =	vst v63  }
0x2c: {  	_ =	swait.ge [sflag:s23], $0x1000  }
0x2d: {  	[sflag:s23] =	ssyncset.done $0x0  }
0x2e: {  	[sflag:s23] =	ssyncadd.s32 $0xFFFFF000  }
0x2f: {  	v4 =	vld [tilespmem:$0x0]  }
0x30: {  	s8 =	simm.s32 $0x1040;
	v5 =	vld [tilespmem:$0x1000]  }
0x31: {  	s5 =	simm.s32 $0x40;
	v6 =	vld [tilespmem:s8+$0xFFFFFFD0]  }
0x32: {  	v7 =	vld [tilespmem:s5+$0xFFFFFFD0]  }
0x33: {  	v8 =	vld [tilespmem:s8+$0xFFFFFFE0]  }
0x34: {  	v9 =	vld [tilespmem:s5+$0xFFFFFFE0]  }
0x35: {  	v10 =	vld [tilespmem:s8+$0xFFFFFFF0]  }
0x36: {  	v11 =	vld [tilespmem:s5+$0xFFFFFFF0]  }
0x37: {  	v12 =	vld [tilespmem:s8+$0x0];
	vm0 =	vlt.s32 v4, v7;
	vm1 =	vlt.s32 v5, v6  }
0x38: {  	v4 =	vsel vm0, v4, v7;
	v5 =	vsel vm1, v5, v6;
	v7 =	vld [tilespmem:s5+$0x0]  }
0x39: {  	v13 =	vld [tilespmem:s8+$0x10];
	vm0 =	vlt.s32 v4, v9;
	vm1 =	vlt.s32 v5, v8  }
0x3a: {  	v4 =	vsel vm0, v4, v9;
	v5 =	vsel vm1, v5, v8;
	v9 =	vld [tilespmem:s5+$0x10]  }
0x3b: {  	v6 =	vld [tilespmem:s8+$0x20];
	vm0 =	vlt.s32 v4, v11;
	vm1 =	vlt.s32 v5, v10  }
0x3c: {  	v8 =	vld [tilespmem:s5+$0x20];
	v11 =	vsel vm0, v4, v11;
	v5 =	vsel vm1, v5, v10  }
0x3d: {  	v4 =	vld [tilespmem:s8+$0x30];
	vm0 =	vlt.s32 v11, v7;
	vm1 =	vlt.s32 v5, v12  }
0x3e: {  	v10 =	vsel vm0, v11, v7;
	v12 =	vsel vm1, v5, v12;
	v7 =	vld [tilespmem:s5+$0x30]  }
0x3f: {  	v5 =	vld [tilespmem:s8+$0x40];
	vm0 =	vlt.s32 v10, v9;
	vm1 =	vlt.s32 v12, v13  }
0x40: {  	s9 =	simm.s32 $0x10C0;
	s8 =	simm.s32 $0x1;
	v11 =	vsel vm0, v10, v9;
	v10 =	vsel vm1, v12, v13;
	v9 =	vld [tilespmem:s5+$0x40]  }
.LBB2_2:
0x41: {  	v12 =	vld [tilespmem:s9+$0xFFFFFFD0];
	vm0 =	vlt.s32 v11, v8;
	vm1 =	vlt.s32 v10, v6;
	s5 =	sadd.s32 $0x80, s5  }
0x42: {  	s8 =	sadd.s32 $0x8, s8;
	v13 =	vld [tilespmem:s5+$0xFFFFFFD0];
	v8 =	vsel vm0, v11, v8;
	v6 =	vsel vm1, v10, v6  }
0x43: {  	p0 =	slt.u32 s8, $0xF1;
	v10 =	vld [tilespmem:s9+$0xFFFFFFE0];
	vm0 =	vlt.s32 v8, v7;
	vm1 =	vlt.s32 v6, v4  }
0x44: {  	v11 =	vld [tilespmem:s5+$0xFFFFFFE0];
	v7 =	vsel vm0, v8, v7;
	v4 =	vsel vm1, v6, v4  }
0x45: {  	v8 =	vld [tilespmem:s9+$0xFFFFFFF0];
	vm0 =	vlt.s32 v7, v9;
	vm1 =	vlt.s32 v4, v5  }
0x46: {  	v14 =	vld [tilespmem:s5+$0xFFFFFFF0];
	v6 =	vsel vm0, v7, v9;
	v4 =	vsel vm1, v4, v5  }
0x47: {  	vm0 =	vlt.s32 v6, v13;
	vm1 =	vlt.s32 v4, v12;
	v5 =	vld [tilespmem:s9+$0x0]  }
0x48: {  	v6 =	vsel vm0, v6, v13;
	v4 =	vsel vm1, v4, v12;
	v7 =	vld [tilespmem:s5+$0x0]  }
0x49: {  	vm0 =	vlt.s32 v6, v11;
	vm1 =	vlt.s32 v4, v10;
	v9 =	vld [tilespmem:s9+$0x10]  }
0x4a: {  	v11 =	vsel vm0, v6, v11;
	v4 =	vsel vm1, v4, v10;
	v10 =	vld [tilespmem:s5+$0x10]  }
0x4b: {  	vm0 =	vlt.s32 v11, v14;
	vm1 =	vlt.s32 v4, v8;
	v6 =	vld [tilespmem:s9+$0x20]  }
.Ltmp0:
0x4c: {  	v11 =	vsel vm0, v11, v14;
	v12 =	vsel vm1, v4, v8;
	v8 =	vld [tilespmem:s5+$0x20];
	(pc) =	sbr.rel @p0 .LBB2_2-.Ltmp0, $4  }
0x4d: {  	vm0 =	vlt.s32 v11, v7;
	vm1 =	vlt.s32 v12, v5;
	v4 =	vld [tilespmem:s9+$0x30]  }
0x4e: {  	v11 =	vsel vm0, v11, v7;
	v12 =	vsel vm1, v12, v5;
	v7 =	vld [tilespmem:s5+$0x30]  }
0x4f: {  	vm0 =	vlt.s32 v11, v10;
	vm1 =	vlt.s32 v12, v9;
	v5 =	vld [tilespmem:s9+$0x40]  }
0x50: {  	s9 =	sadd.s32 $0x80, s9;
	v11 =	vsel vm0, v11, v10;
	v10 =	vsel vm1, v12, v9;
	v9 =	vld [tilespmem:s5+$0x40]  }
0x51: {  	vm0 =	vlt.s32 v11, v8  }
0x52: {  	vm1 =	vlt.s32 v10, v6;
	v44 =	vld [tilespmem:$0xF90];
	v8 =	vsel vm0, v11, v8  }
0x53: {  	v45 =	vld [tilespmem:$0x1F90];
	v6 =	vsel vm1, v10, v6;
	vm0 =	vlt.s32 v8, v7  }
0x54: {  	vm1 =	vlt.s32 v6, v4;
	v7 =	vsel vm0, v8, v7;
	v8 =	vld [tilespmem:$0xFA0]  }
0x55: {  	v4 =	vsel vm1, v6, v4;
	v6 =	vld [tilespmem:$0x1FA0];
	vm0 =	vlt.s32 v7, v9  }
0x56: {  	v46 =	vld [tilespmem:$0xFB0];
	vm1 =	vlt.s32 v4, v5;
	v7 =	vsel vm0, v7, v9  }
0x57: {  	v4 =	vsel vm1, v4, v5;
	v5 =	vld [tilespmem:$0x1FB0];
	vm0 =	vlt.s32 v7, v44  }
0x58: {  	v47 =	vld [tilespmem:$0xFC0];
	vm12 =	vlt.s32 v4, v45;
	v7 =	vsel vm0, v7, v44  }
0x59: {  	v48 =	vld [tilespmem:$0x1FC0];
	v4 =	vsel vm12, v4, v45;
	vm13 =	vlt.s32 v7, v8  }
0x5a: {  	vm14 =	vlt.s32 v4, v6;
	v7 =	vsel vm13, v7, v8;
	v8 =	vld [tilespmem:$0xFD0]  }
0x5b: {  	v4 =	vsel vm14, v4, v6;
	v6 =	vld [tilespmem:$0x1FD0];
	vm15 =	vlt.s32 v7, v46  }
0x5c: {  	v49 =	vld [tilespmem:$0xFE0];
	vm4 =	vlt.s32 v4, v5;
	v7 =	vsel vm15, v7, v46  }
0x5d: {  	v4 =	vsel vm4, v4, v5;
	v5 =	vld [tilespmem:$0x1FE0];
	vm5 =	vlt.s32 v7, v47  }
0x5e: {  	v50 =	vld [tilespmem:$0xFF0];
	vm6 =	vlt.s32 v4, v48;
	v7 =	vsel vm5, v7, v47  }
0x5f: {  	v51 =	vld [tilespmem:$0x1FF0];
	v4 =	vsel vm6, v4, v48;
	vm7 =	vlt.s32 v7, v8  }
0x60: {  	vm8 =	vlt.s32 v4, v6;
	v7 =	vsel vm7, v7, v8  }
0x61: {  	v4 =	vsel vm8, v4, v6;
	vm9 =	vlt.s32 v7, v49  }
0x62: {  	vm10 =	vlt.s32 v4, v5;
	v6 =	vsel vm9, v7, v49  }
0x63: {  	v4 =	vsel vm10, v4, v5;
	vm11 =	vlt.s32 v6, v50  }
0x64: {  	vm12 =	vlt.s32 v4, v51;
	v5 =	vsel vm11, v6, v50  }
0x65: {  	v4 =	vsel vm12, v4, v51;
	[tilespmem:$0x3200] =	vst v5  }
0x66: {  	s5 =	rddreg [dreg:$0xd];
	s7 =	simm.s32 $0x3200;
	[tilespmem:$0x3210] =	vst v4  }
0x67: {  	[spmem:s5] =	stream.linear.scatter [tilespmem:s7], [sflag:$0xD], $0x20, $0x38;
	[tilespmem:$0x152A0] =	vst v63  }
0x68: {  	_ =	swait.ge [sflag:s23], $0x20  }
0x69: {  	[sflag:s23] =	ssyncset.done $0x0  }
0x6a: {  	[sflag:s23] =	ssyncadd.s32 $0xFFFFFFE0  }
0x6b: {  	[bflag:$0x0] =	sbarrier.arrive $0xFFFF  }
0x6c: {  	s26 =	simm.s32 $0x3000;
	s25 =	rddreg [dreg:$0x5]  }
0x6d: {  	[tilespmem:s26], [sflag:$0xD] =	stream.linear.gather [spmem:s25], $0x200, $0x38;
	[tilespmem:$0x152A0] =	vst v63  }
0x6e: {  	_ =	swait.ge [sflag:s23], $0x200  }
0x6f: {  	[sflag:s23] =	ssyncset.done $0x0  }
0x70: {  	[sflag:s23] =	ssyncadd.s32 $0xFFFFFE00  }
0x71: {  	v4 =	vld [tilespmem:$0x3000]  }
0x72: {  	v5 =	vld [tilespmem:$0x3020];
	_ =	sdelay $0x1  }
0x73: {  	v6 =	vld [tilespmem:$0x3040];
	_ =	sdelay $0x1  }
0x74: {  	v7 =	vld [tilespmem:$0x3060]  }
0x75: {  	v8 =	vld [tilespmem:$0x3010];
	vm13 =	vlt.s32 v4, v5  }
0x76: {  	v4 =	vsel vm13, v4, v5;
	v5 =	vld [tilespmem:$0x3080]  }
0x77: {  	v52 =	vld [tilespmem:$0x3030];
	vm0 =	vlt.s32 v4, v6  }
0x78: {  	v4 =	vsel vm0, v4, v6;
	v6 =	vld [tilespmem:$0x30A0]  }
0x79: {  	v53 =	vld [tilespmem:$0x3050];
	vm0 =	vlt.s32 v4, v7  }
0x7a: {  	v4 =	vsel vm0, v4, v7;
	v7 =	vld [tilespmem:$0x30C0]  }
0x7b: {  	v54 =	vld [tilespmem:$0x3070];
	vm0 =	vlt.s32 v4, v5  }
0x7c: {  	v4 =	vsel vm0, v4, v5;
	v5 =	vld [tilespmem:$0x30E0]  }
0x7d: {  	v12 =	vld [tilespmem:$0x3090];
	vm14 =	vlt.s32 v8, v52;
	vm15 =	vlt.s32 v4, v6  }
0x7e: {  	v8 =	vsel vm14, v8, v52;
	v4 =	vsel vm15, v4, v6;
	v6 =	vld [tilespmem:$0x3100]  }
0x7f: {  	v55 =	vld [tilespmem:$0x30B0];
	vm0 =	vlt.s32 v8, v53;
	vm1 =	vlt.s32 v4, v7  }
0x80: {  	v8 =	vsel vm0, v8, v53;
	v4 =	vsel vm1, v4, v7;
	v7 =	vld [tilespmem:$0x3120]  }
0x81: {  	v56 =	vld [tilespmem:$0x30D0];
	vm0 =	vlt.s32 v8, v54;
	vm1 =	vlt.s32 v4, v5  }
0x82: {  	v8 =	vsel vm0, v8, v54;
	v4 =	vsel vm1, v4, v5;
	v5 =	vld [tilespmem:$0x3140]  }
0x83: {  	v57 =	vld [tilespmem:$0x30F0];
	vm0 =	vlt.s32 v8, v12;
	vm1 =	vlt.s32 v4, v6  }
0x84: {  	v8 =	vsel vm0, v8, v12;
	v4 =	vsel vm1, v4, v6;
	v6 =	vld [tilespmem:$0x3160]  }
0x85: {  	v58 =	vld [tilespmem:$0x3110];
	vm0 =	vlt.s32 v8, v55;
	vm1 =	vlt.s32 v4, v7  }
0x86: {  	v8 =	vsel vm0, v8, v55;
	v4 =	vsel vm1, v4, v7;
	v7 =	vld [tilespmem:$0x3180]  }
0x87: {  	v59 =	vld [tilespmem:$0x3130];
	vm0 =	vlt.s32 v8, v56;
	vm1 =	vlt.s32 v4, v5  }
0x88: {  	v8 =	vsel vm0, v8, v56;
	v4 =	vsel vm1, v4, v5;
	v5 =	vld [tilespmem:$0x31A0]  }
0x89: {  	v60 =	vld [tilespmem:$0x3150];
	vm0 =	vlt.s32 v8, v57;
	vm1 =	vlt.s32 v4, v6  }
0x8a: {  	v8 =	vsel vm0, v8, v57;
	v4 =	vsel vm1, v4, v6;
	v6 =	vld [tilespmem:$0x31C0]  }
0x8b: {  	v61 =	vld [tilespmem:$0x3170];
	vm0 =	vlt.s32 v8, v58;
	vm1 =	vlt.s32 v4, v7  }
0x8c: {  	v8 =	vsel vm0, v8, v58;
	v4 =	vsel vm1, v4, v7;
	v7 =	vld [tilespmem:$0x31E0]  }
0x8d: {  	vm0 =	vlt.s32 v8, v59;
	vm1 =	vlt.s32 v4, v5  }
0x8e: {  	v62 =	vld [tilespmem:$0x3190];
	v8 =	vsel vm0, v8, v59;
	v4 =	vsel vm1, v4, v5  }
0x8f: {  	vm0 =	vlt.s32 v8, v60;
	vm1 =	vlt.s32 v4, v6  }
0x90: {  	v5 =	vsel vm0, v8, v60;
	v8 =	vld [tilespmem:$0x31B0];
	v4 =	vsel vm1, v4, v6  }
0x91: {  	vm0 =	vlt.s32 v5, v61;
	vm1 =	vlt.s32 v4, v7  }
0x92: {  	v5 =	vsel vm0, v5, v61;
	v6 =	vld [tilespmem:$0x31D0];
	v4 =	vsel vm1, v4, v7  }
0x93: {  	vm0 =	vlt.s32 v5, v62;
	v7 =	vperm.xlane v4, v0  }
0x94: {  	v63 =	vld [tilespmem:$0x31F0];
	v5 =	vsel vm0, v5, v62  }
0x95: {  	vm0 =	vlt.s32 v5, v8;
	vm1 =	vlt.s32 v4, v7  }
0x96: {  	v5 =	vsel vm0, v5, v8;
	v4 =	vsel vm1, v4, v7  }
0x97: {  	vm0 =	vlt.s32 v5, v6;
	v7 =	vperm.xlane v4, v1  }
0x98: {  	v5 =	vsel vm0, v5, v6  }
0x99: {  	vm0 =	vlt.s32 v5, v63;
	vm1 =	vlt.s32 v4, v7  }
0x9a: {  	v5 =	vsel vm0, v5, v63;
	v4 =	vsel vm1, v4, v7  }
0x9b: {  	v6 =	vperm.xlane v5, v0;
	v7 =	vperm.xlane v4, v2;
	_ =	sdelay $0x1  }
0x9c: {  	vm0 =	vlt.s32 v5, v6;
	vm1 =	vlt.s32 v4, v7  }
0x9d: {  	v5 =	vsel vm0, v5, v6;
	v6 =	vld [tilespmem:s16+$0xFFFFFFC0];
	v4 =	vsel vm1, v4, v7  }
0x9e: {  	v7 =	vperm.xlane v5, v1;
	v8 =	vperm.xlane v4, v3;
	_ =	sdelay $0x1  }
0x9f: {  	vm0 =	vlt.s32 v5, v7;
	vm1 =	vlt.s32 v4, v8  }
0xa0: {  	v5 =	vsel vm0, v5, v7;
	v4 =	vsel vm1, v4, v8  }
0xa1: {  	v7 =	vperm.xlane v5, v2;
	v6 =	vsub.s32 v6, v4  }
0xa2: {  	s5 =	simm.s32 $0x2040;
	v6 =	vshra.s32 v6, $0x4  }
0xa3: {  	vm0 =	vlt.s32 v5, v7;
	[tilespmem:s5+$0xFFFFFFC0] =	vst v6  }
0xa4: {  	v5 =	vsel vm0, v5, v7;
	v6 =	vld [tilespmem:s17+$0xFFFFFFC0]  }
0xa5: {  	v7 =	vperm.xlane v5, v3;
	_ =	sdelay $0x1  }
0xa6: {  	vm0 =	vlt.s32 v5, v7  }
0xa7: {  	v5 =	vsel vm0, v5, v7  }
0xa8: {  	v6 =	vsub.s32 v6, v5  }
0xa9: {  	s20 =	simm.s32 $0x2840;
	v6 =	vshra.s32 v6, $0x4  }
0xaa: {  	[tilespmem:s20+$0xFFFFFFC0] =	vst v6  }
0xab: {  	v6 =	vld [tilespmem:s16+$0xFFFFFFD0];
	_ =	sdelay $0x4  }
0xac: {  	v6 =	vsub.s32 v6, v4  }
0xad: {  	v6 =	vshra.s32 v6, $0x4  }
0xae: {  	[tilespmem:s5+$0xFFFFFFD0] =	vst v6  }
0xaf: {  	v6 =	vld [tilespmem:s17+$0xFFFFFFD0];
	_ =	sdelay $0x4  }
0xb0: {  	v6 =	vsub.s32 v6, v5  }
0xb1: {  	v6 =	vshra.s32 v6, $0x4  }
0xb2: {  	[tilespmem:s20+$0xFFFFFFD0] =	vst v6  }
0xb3: {  	v6 =	vld [tilespmem:s16+$0xFFFFFFE0];
	_ =	sdelay $0x4  }
0xb4: {  	v6 =	vsub.s32 v6, v4  }
0xb5: {  	v6 =	vshra.s32 v6, $0x4  }
0xb6: {  	[tilespmem:s5+$0xFFFFFFE0] =	vst v6  }
0xb7: {  	v6 =	vld [tilespmem:s17+$0xFFFFFFE0];
	_ =	sdelay $0x4  }
0xb8: {  	v6 =	vsub.s32 v6, v5  }
0xb9: {  	v6 =	vshra.s32 v6, $0x4  }
0xba: {  	[tilespmem:s20+$0xFFFFFFE0] =	vst v6  }
0xbb: {  	v6 =	vld [tilespmem:s16+$0xFFFFFFF0];
	_ =	sdelay $0x4  }
0xbc: {  	v6 =	vsub.s32 v6, v4  }
0xbd: {  	v6 =	vshra.s32 v6, $0x4  }
0xbe: {  	[tilespmem:s5+$0xFFFFFFF0] =	vst v6  }
0xbf: {  	v6 =	vld [tilespmem:s17+$0xFFFFFFF0];
	_ =	sdelay $0x4  }
0xc0: {  	v6 =	vsub.s32 v6, v5  }
0xc1: {  	v6 =	vshra.s32 v6, $0x4  }
0xc2: {  	[tilespmem:s20+$0xFFFFFFF0] =	vst v6  }
0xc3: {  	v6 =	vld [tilespmem:s16+$0x0];
	_ =	sdelay $0x4  }
0xc4: {  	v6 =	vsub.s32 v6, v4  }
0xc5: {  	v6 =	vshra.s32 v6, $0x4  }
0xc6: {  	[tilespmem:s5+$0x0] =	vst v6  }
0xc7: {  	v6 =	vld [tilespmem:s17+$0x0];
	_ =	sdelay $0x4  }
0xc8: {  	v6 =	vsub.s32 v6, v5  }
0xc9: {  	v6 =	vshra.s32 v6, $0x4  }
0xca: {  	[tilespmem:s20+$0x0] =	vst v6  }
0xcb: {  	v6 =	vld [tilespmem:s16+$0x10];
	_ =	sdelay $0x4  }
0xcc: {  	v6 =	vsub.s32 v6, v4  }
0xcd: {  	v6 =	vshra.s32 v6, $0x4  }
0xce: {  	[tilespmem:s5+$0x10] =	vst v6  }
0xcf: {  	v6 =	vld [tilespmem:s17+$0x10];
	_ =	sdelay $0x4  }
0xd0: {  	v6 =	vsub.s32 v6, v5  }
0xd1: {  	v6 =	vshra.s32 v6, $0x4  }
0xd2: {  	[tilespmem:s20+$0x10] =	vst v6  }
0xd3: {  	v6 =	vld [tilespmem:s16+$0x20];
	_ =	sdelay $0x4  }
0xd4: {  	v6 =	vsub.s32 v6, v4  }
0xd5: {  	v6 =	vshra.s32 v6, $0x4  }
0xd6: {  	[tilespmem:s5+$0x20] =	vst v6  }
0xd7: {  	v6 =	vld [tilespmem:s17+$0x20];
	_ =	sdelay $0x4  }
0xd8: {  	v6 =	vsub.s32 v6, v5  }
0xd9: {  	v6 =	vshra.s32 v6, $0x4  }
0xda: {  	[tilespmem:s20+$0x20] =	vst v6  }
0xdb: {  	v6 =	vld [tilespmem:s16+$0x30];
	_ =	sdelay $0x4  }
0xdc: {  	v6 =	vsub.s32 v6, v4  }
0xdd: {  	v6 =	vshra.s32 v6, $0x4  }
0xde: {  	[tilespmem:s5+$0x30] =	vst v6  }
0xdf: {  	v6 =	vld [tilespmem:s17+$0x30];
	_ =	sdelay $0x4  }
0xe0: {  	s21 =	simm.s32 $0x2780;
	s8 =	sadd.s32 $0x80, s16;
	s9 =	sadd.s32 $0x80, s17;
	v6 =	vsub.s32 v6, v5  }
0xe1: {  	s28 =	simm.s32 $0xFFFFFFFE;
	s26 =	simm.s32 $0x0;
	s25 =	simm.s32 $0x1F80;
	v6 =	vshra.s32 v6, $0x4  }
.LBB2_4:
0xe2: {  	s26 =	sadd.s32 $0x8, s26;
	[tilespmem:s20+$0x30] =	vst v6;
	s20 =	sadd.s32 $0x80, s20;
	s5 =	sadd.s32 $0x80, s5  }
0xe3: {  	v6 =	vld [tilespmem:s8+$0xFFFFFFC0];
	p0 =	slt.u32 s26, $0x78;
	_ =	sdelay $0x4  }
0xe4: {  	v6 =	vsub.s32 v6, v4  }
0xe5: {  	v6 =	vshra.s32 v6, $0x4  }
0xe6: {  	[tilespmem:s5+$0xFFFFFFC0] =	vst v6  }
0xe7: {  	v6 =	vld [tilespmem:s9+$0xFFFFFFC0];
	_ =	sdelay $0x4  }
0xe8: {  	v6 =	vsub.s32 v6, v5  }
0xe9: {  	v6 =	vshra.s32 v6, $0x4  }
0xea: {  	[tilespmem:s20+$0xFFFFFFC0] =	vst v6  }
0xeb: {  	v6 =	vld [tilespmem:s8+$0xFFFFFFD0];
	_ =	sdelay $0x4  }
0xec: {  	v6 =	vsub.s32 v6, v4  }
0xed: {  	v6 =	vshra.s32 v6, $0x4  }
0xee: {  	[tilespmem:s5+$0xFFFFFFD0] =	vst v6  }
0xef: {  	v6 =	vld [tilespmem:s9+$0xFFFFFFD0];
	_ =	sdelay $0x4  }
0xf0: {  	v6 =	vsub.s32 v6, v5  }
0xf1: {  	v6 =	vshra.s32 v6, $0x4  }
0xf2: {  	[tilespmem:s20+$0xFFFFFFD0] =	vst v6  }
0xf3: {  	v6 =	vld [tilespmem:s8+$0xFFFFFFE0];
	_ =	sdelay $0x4  }
0xf4: {  	v6 =	vsub.s32 v6, v4  }
0xf5: {  	v6 =	vshra.s32 v6, $0x4  }
0xf6: {  	[tilespmem:s5+$0xFFFFFFE0] =	vst v6  }
0xf7: {  	v6 =	vld [tilespmem:s9+$0xFFFFFFE0];
	_ =	sdelay $0x4  }
0xf8: {  	v6 =	vsub.s32 v6, v5  }
0xf9: {  	v6 =	vshra.s32 v6, $0x4  }
0xfa: {  	[tilespmem:s20+$0xFFFFFFE0] =	vst v6  }
0xfb: {  	v6 =	vld [tilespmem:s8+$0xFFFFFFF0];
	_ =	sdelay $0x4  }
0xfc: {  	v6 =	vsub.s32 v6, v4  }
0xfd: {  	v6 =	vshra.s32 v6, $0x4  }
0xfe: {  	[tilespmem:s5+$0xFFFFFFF0] =	vst v6  }
0xff: {  	v6 =	vld [tilespmem:s9+$0xFFFFFFF0];
	_ =	sdelay $0x4  }
0x100: {  	v6 =	vsub.s32 v6, v5  }
0x101: {  	v6 =	vshra.s32 v6, $0x4  }
0x102: {  	[tilespmem:s20+$0xFFFFFFF0] =	vst v6  }
0x103: {  	v6 =	vld [tilespmem:s8+$0x0];
	_ =	sdelay $0x4  }
0x104: {  	v6 =	vsub.s32 v6, v4  }
0x105: {  	v6 =	vshra.s32 v6, $0x4  }
0x106: {  	[tilespmem:s5+$0x0] =	vst v6  }
0x107: {  	v6 =	vld [tilespmem:s9+$0x0];
	_ =	sdelay $0x4  }
0x108: {  	v6 =	vsub.s32 v6, v5  }
0x109: {  	v6 =	vshra.s32 v6, $0x4  }
0x10a: {  	[tilespmem:s20+$0x0] =	vst v6  }
0x10b: {  	v6 =	vld [tilespmem:s8+$0x10];
	_ =	sdelay $0x4  }
0x10c: {  	v6 =	vsub.s32 v6, v4  }
0x10d: {  	v6 =	vshra.s32 v6, $0x4  }
0x10e: {  	[tilespmem:s5+$0x10] =	vst v6  }
0x10f: {  	v6 =	vld [tilespmem:s9+$0x10];
	_ =	sdelay $0x4  }
0x110: {  	v6 =	vsub.s32 v6, v5  }
0x111: {  	v6 =	vshra.s32 v6, $0x4  }
0x112: {  	[tilespmem:s20+$0x10] =	vst v6  }
0x113: {  	v6 =	vld [tilespmem:s8+$0x20];
	_ =	sdelay $0x4  }
0x114: {  	v6 =	vsub.s32 v6, v4  }
0x115: {  	v6 =	vshra.s32 v6, $0x4  }
0x116: {  	[tilespmem:s5+$0x20] =	vst v6  }
0x117: {  	v6 =	vld [tilespmem:s9+$0x20];
	_ =	sdelay $0x4  }
0x118: {  	v6 =	vsub.s32 v6, v5  }
0x119: {  	v6 =	vshra.s32 v6, $0x4  }
0x11a: {  	[tilespmem:s20+$0x20] =	vst v6  }
0x11b: {  	v6 =	vld [tilespmem:s8+$0x30];
	_ =	sdelay $0x4  }
0x11c: {  	v6 =	vsub.s32 v6, v4  }
0x11d: {  	v6 =	vshra.s32 v6, $0x4  }
0x11e: {  	[tilespmem:s5+$0x30] =	vst v6  }
0x11f: {  	v6 =	vld [tilespmem:s9+$0x30];
	_ =	sdelay $0x1  }
.Ltmp1:
0x120: {  	(pc) =	sbr.rel @p0 .LBB2_4-.Ltmp1, $3  }
0x121: {  	_ =	sdelay $0x1  }
0x122: {  	v6 =	vsub.s32 v6, v5  }
0x123: {  	s8 =	sadd.s32 $0x80, s8;
	s9 =	sadd.s32 $0x80, s9;
	v6 =	vshra.s32 v6, $0x4  }
0x124: {  	p0 =	por $0x1, $0x1  }
0x125: {  	s11 =	simm.s32 $0x0;
	s8 =	sand.u32 @!p0 $0x3, s28  }
0x126: {  	[tilespmem:s20+$0x30] =	vst v6;
	s5 =	simm.s32 $0xFFFFFFFF;
	p1 =	por $0x1, $0x1;
	s9 =	sadd.s32 @!p0 $0x5, s8  }
0x127: {  	s12 =	sshrl.u32 @!p0 s18, $0x3;
	p2 =	por @!p1 $0x0, $0x0;
	_ =	swait.ge @!p0 [sflag:s9], $0x4000  }
0x128: {  	s20 =	sshll.u32 @!p0 s8, $0xE;
	s26 =	sadd.s32 @!p0 $0x9, s8;
	[sflag:s9] =	ssyncset.done @!p0 $0x0  }
0x129: {  	s12 =	sadd.s32 @!p0 s1, s12;
	p1 =	por p2, p1;
	[sflag:s9] =	ssyncadd.s32 @!p0 $0xFFFFC000  }
0x12a: {  	s8 =	simm.s32 $0x2800;
	s20 =	sor.u32 @!p0 $0x3280, s20;
	_ =	swait.ge @!p0 [sflag:s9], $0x4000  }
0x12b: {  	s28 =	simm.s32 @!p1 $0xFFFFFFFF;
	s13 =	simm.s32 @!p1 $0x80;
	[sflag:s9] =	ssyncset.done @!p0 $0x0  }
0x12c: {  	s28 =	sand.u32 @!p1 $0x3, s28;
	[sflag:s9] =	ssyncadd.s32 @!p0 $0xFFFFC000;
	s9 =	simm.s32 @!p0 $0x0  }
0x12d: {  	[hbm4b:s12+s9] =	stream.linear.scatter @!p0 [tilespmem:s20], [sflag:s26], $0x4000, $0x38;
	[tilespmem:$0x152A0] =	vst v63  }
0x12e: {  	s12 =	sadd.s32 @!p1 $0x1, s28;
	s20 =	sshll.u32 @!p1 s28, $0xE;
	s9 =	simm.s32 $0x2000  }
0x12f: {  	p0 =	por $0x1, $0x1;
	s28 =	sadd.s32 @!p1 $0x5, s28;
	_ =	swait.ge @!p1 [sflag:s12], $0x4000  }
0x130: {  	s20 =	sor.u32 @!p1 $0x3280, s20;
	p2 =	por @!p0 $0x1, $0x1;
	[sflag:s12] =	ssyncset.done @!p1 $0x0  }
0x131: {  	s11 =	sand.u32 @!p0 $0x3, s11;
	p2 =	por p2, p0;
	[sflag:s12] =	ssyncadd.s32 @!p1 $0xFFFFC000  }
0x132: {  	[tilespmem:s20], [sflag:s28] =	stream.indirect.gather.add.f32 @!p1 [spmem:s2], $0x80, s25, s13, $0xb8;
	[tilespmem:$0x152A0] =	vst v63  }
0x133: {  	s26 =	sadd.s32 @!p0 $0x1, s11;
	s12 =	sshll.u32 @!p0 s11, $0xE;
	s11 =	sadd.s32 @!p2 $0x9, s11  }
0x134: {  	[tilespmem:s20], [sflag:s28] =	stream.indirect.gather.add.f32 @!p1 [spmem:s3], $0x80, s21, s13, $0xb8;
	[tilespmem:$0x152A0] =	vst v63  }
0x135: {  	s25 =	smov.u32 s19;
	s28 =	sor.u32 @!p0 $0x3280, s12;
	s12 =	simm.s32 @!p0 $0x0  }
0x136: {  	s20 =	sadd.s32 $0x4000, s18;
	s21 =	sadd.s32 $0x800, s19;
	_ =	swait.ge @!p2 [sflag:s11], $0x4000  }
.LBB2_6:
0x137: {  	s13 =	sadd.s32 $0x2, s5;
	[sflag:s11] =	ssyncset.done @!p2 $0x0;
	s14 =	smov.u32 s5  }
0x138: {  	s5 =	sadd.s32 $0x1, s5;
	s15 =	smov.u32 s8;
	s7 =	smov.u32 s9  }
0x139: {  	p3 =	slt.u32 s13, $0x2;
	p4 =	seq.s32 s13, $0x0;
	[sflag:s11] =	ssyncadd.s32 @!p2 $0xFFFFC000  }
0x13a: {  	[tilespmem:s28], [sflag:s26] =	stream.linear.gather @!p0 [hbm4b:s25+s12], $0x4000, $0x38;
	[tilespmem:$0x152A0] =	vst v63  }
0x13b: {  	s11 =	sand.u32 @!p3 $0x3, s14;
	s12 =	sshrl.u32 @!p3 s20, $0x3;
	p0 =	seq.s32 @!p4 s13, $0x11  }
0x13c: {  	s26 =	sadd.s32 @!p3 $0x5, s11;
	s28 =	sadd.s32 @!p3 $0x9, s11;
	s11 =	sshll.u32 @!p3 s11, $0xE  }
0x13d: {  	s12 =	sadd.s32 @!p3 s1, s12;
	s11 =	sor.u32 @!p3 $0x3280, s11;
	_ =	swait.ge @!p3 [sflag:s26], $0x4000  }
0x13e: {  	p1 =	sne.s32 s5, $0x10;
	s25 =	smov.u32 s21;
	[sflag:s26] =	ssyncset.done @!p3 $0x0  }
0x13f: {  	[sflag:s26] =	ssyncadd.s32 @!p3 $0xFFFFC000  }
0x140: {  	p4 =	por p0, p4;
	_ =	swait.ge @!p3 [sflag:s26], $0x4000  }
0x141: {  	s8 =	sadd.s32 $0x80, s8;
	s22 =	sadd.s32 @!p4 $0x1, s14;
	[sflag:s26] =	ssyncset.done @!p3 $0x0  }
0x142: {  	s22 =	sand.u32 @!p4 $0x3, s22;
	[sflag:s26] =	ssyncadd.s32 @!p3 $0xFFFFC000;
	s26 =	simm.s32 @!p3 $0x0  }
0x143: {  	[hbm4b:s12+s26] =	stream.linear.scatter @!p3 [tilespmem:s11], [sflag:s28], $0x4000, $0x38;
	[tilespmem:$0x152A0] =	vst v63  }
0x144: {  	s9 =	sadd.s32 $0x80, s9;
	s11 =	sadd.s32 @!p4 $0x1, s22;
	s12 =	sshll.u32 @!p4 s22, $0xE  }
0x145: {  	p0 =	sgt.u32 s14, $0xD;
	s28 =	simm.s32 @!p4 $0x80;
	_ =	swait.ge @!p4 [sflag:s11], $0x4000  }
0x146: {  	s14 =	sadd.s32 @!p4 $0x5, s22;
	s12 =	sor.u32 @!p4 $0x3280, s12;
	[sflag:s11] =	ssyncset.done @!p4 $0x0  }
0x147: {  	p2 =	slt.u32 @!p0 s13, $0x4;
	[sflag:s11] =	ssyncadd.s32 @!p4 $0xFFFFC000;
	s11 =	sand.u32 @!p0 $0x3, s13  }
0x148: {  	[tilespmem:s12], [sflag:s14] =	stream.indirect.gather.add.f32 @!p4 [spmem:s2], $0x80, s7, s28, $0xb8;
	[tilespmem:$0x152A0] =	vst v63  }
.Ltmp2:
0x149: {  	_ = 	snop;
	(pc) =	sbr.rel @p1 .LBB2_6-.Ltmp2, $4  }
0x14a: {  	p2 =	por p2, p0;
	s7 =	sshll.u32 @!p0 s11, $0xE;
	s26 =	sadd.s32 @!p0 $0x1, s11  }
0x14b: {  	[tilespmem:s12], [sflag:s14] =	stream.indirect.gather.add.f32 @!p4 [spmem:s3], $0x80, s15, s28, $0xb8;
	[tilespmem:$0x152A0] =	vst v63  }
0x14c: {  	s11 =	sadd.s32 @!p2 $0x9, s11;
	s28 =	sor.u32 @!p0 $0x3280, s7;
	s12 =	simm.s32 @!p0 $0x0  }
0x14d: {  	s20 =	sadd.s32 $0x4000, s20;
	s21 =	sadd.s32 $0x800, s21;
	_ =	swait.ge @!p2 [sflag:s11], $0x4000  }
0x14e: {  	[sflag:s11] =	ssyncset.done @!p2 $0x0  }
0x14f: {  	[sflag:s11] =	ssyncadd.s32 @!p2 $0xFFFFC000  }
0x150: {  	[tilespmem:s28], [sflag:s26] =	stream.linear.gather @!p0 [hbm4b:s25+s12], $0x4000, $0x38;
	[tilespmem:$0x152A0] =	vst v63  }
0x151: {  	_ =	swait.ge [sflag:s29], $0x4000  }
0x152: {  	[sflag:s29] =	ssyncset.done $0x0  }
0x153: {  	[sflag:s29] =	ssyncadd.s32 $0xFFFFC000  }
0x154: {  	_ =	swait.ge [sflag:s30], $0x4000  }
0x155: {  	[sflag:s30] =	ssyncset.done $0x0  }
0x156: {  	[sflag:s30] =	ssyncadd.s32 $0xFFFFC000  }
0x157: {  	_ =	swait.ge [sflag:s31], $0x4000  }
0x158: {  	[sflag:s31] =	ssyncset.done $0x0  }
0x159: {  	[sflag:s31] =	ssyncadd.s32 $0xFFFFC000  }
0x15a: {  	_ =	swait.ge [sflag:s0], $0x4000  }
0x15b: {  	s4 =	sadd.s32 $0x1, s4;
	s5 =	rddreg [dreg:$0xe]  }
0x15c: {  	p0 =	sne.s32 s4, s5  }
.Ltmp3:
0x15d: {  	_ = 	snop;
	(pc) =	sbr.rel @p0 .LBB2_1-.Ltmp3, $3  }
0x15e: {  	_ =	sdelay $0x1  }
0x15f: {  	[sflag:s0] =	ssyncset.done $0x0  }
0x160: {  	[sflag:s0] =	ssyncadd.s32 $0xFFFFC000  }
0x161: {  	_ =	sfence.sel $0x180000  }
0x162: {  	[bflag:$0x0] =	sbarrier.arrive $0xFFFF  }
0x163: {  	_ =	strace $0x90000047  }
0x164: {  	s0 =	stileid.u32;
	[bflag:$0x2] =	sbarrier.arrive $0xFFFF  }
0x165: {  	p0 =	sne.s32 s0, $0x0;
	s0 =	rddreg [dreg:$0x6]  }
0x166: {  	s0 =	sadd.s32 @!p0 $0x100000, s0  }
0x167: {  	[sflag:s0] =	ssyncadd.tile.s32 @!p0 $0x1;
	_ =	shalt  }
.Lfunc_end2:
_tile_overlayer_lowered:
.L_overlay_start_2:
0x168: {  	(tag) =	ssettag $0x2  }
0x169: {  	s0 =	rddreg [dreg:$0x0];
	s2 =	stileid.u32  }
0x16a: {  	s1 =	rddreg [dreg:$0x1];
	p0 =	sne.s32 s2, $0x0  }
0x16b: {  	s3 =	rddreg [dreg:$0x2];
	[bflag:$0x3] =	sbarrier.arrive $0xFFFF;
	s2 =	simm.s32 @!p0 $0x1C0D  }
0x16c: {  	[timem:s3], [sflag:s2] =	dma.local @!p0 [hbm:s0], s1  }
0x16d: {  	s0 =	simm.s32 @!p0 $0xD  }
0x16e: {  	_ =	swait.ge @!p0 [sflag:s0], s1  }
0x16f: {  	s1 =	ssub.s32 @!p0 $0x0, s1;
	[sflag:s0] =	ssyncset.done @!p0 $0x0  }
0x170: {  	[sflag:s0] =	ssyncadd.s32 @!p0 s1  }
0x171: {  	[bflag:$0x3] =	sbarrier.arrive $0xFFFF  }
0x172: {  	_ =	shalt  }

</sc_bundles>
